<compile_context>
chip_gen: v7x
topology: tpu7x:2x2x1
jax: 0.10.2.dev20260603
libtpu: 0.0.44.dev20260713+nightly
codegen_flags: <defaults>
</compile_context>

<pallas_src>
import functools

import jax
import jax.numpy as jnp
from jax import lax
from jax.experimental import pallas as pl
from jax.experimental.pallas import tpu as pltpu
from jax.experimental.pallas import tpu_sc as plsc

BATCH = 16384
D = 32
PACK = 128 // D
NUM_CORES = 2
NUM_SUBCORES = 16
NW = NUM_CORES * NUM_SUBCORES
B_PER_W = BATCH // NW
P_PER_W = B_PER_W // PACK
CHUNK = 128
NCHUNK = B_PER_W // CHUNK
LANES = 16


def _body(labels_hbm, mu_hbm, sigma_hbm, z_hbm, out_hbm,
          idx_v, ridx_v, z_v, mu_g, sigma_g, sem):
    wid = lax.axis_index("s") * NUM_CORES + lax.axis_index("c")
    base_lab = wid * B_PER_W
    base_pack = wid * P_PER_W

    pltpu.sync_copy(labels_hbm.at[pl.ds(base_lab, B_PER_W)], idx_v)

    def prep(v, _):
        sl = pl.ds(v * LANES, LANES)
        ridx_v[sl] = lax.shift_right_logical(idx_v[sl], 2)
        return 0

    lax.fori_loop(0, B_PER_W // LANES, prep, 0, unroll=4)

    pltpu.sync_copy(z_hbm.at[pl.ds(base_pack, P_PER_W)], z_v)

    for c in range(NCHUNK):
        csl = pl.ds(c * CHUNK, CHUNK)
        cp0 = pltpu.async_copy(mu_hbm.at[ridx_v.at[csl]], mu_g, sem)
        cp1 = pltpu.async_copy(sigma_hbm.at[ridx_v.at[csl]], sigma_g, sem)
        cp0.wait()
        cp1.wait()

        def row(i, _):
            j = c * (CHUNK // PACK) + lax.div(i, PACK)
            lab = idx_v[pl.ds(c * CHUNK + i, 1)][0]
            q = lax.shift_left(jnp.bitwise_and(lab, 3), 5)
            zoff = lax.rem(i, PACK) * D
            for hh in range(D // LANES):
                zsl = pl.ds(zoff + hh * LANES, LANES)
                gsl = pl.ds(q + hh * LANES, LANES)
                s = sigma_g[i, gsl]
                z_v[j, zsl] = z_v[j, zsl] * jnp.exp(0.5 * s) + mu_g[i, gsl]
            return 0

        lax.fori_loop(0, CHUNK, row, 0, unroll=4)

    pltpu.sync_copy(z_v, out_hbm.at[pl.ds(base_pack, P_PER_W)])


@jax.jit
def kernel(labels, mu_table, sigma_table, z):
    vocab = mu_table.shape[0]
    mu_p = mu_table.reshape(vocab // PACK, PACK * D)
    sigma_p = sigma_table.reshape(vocab // PACK, PACK * D)
    z_p = z.reshape(BATCH // PACK, PACK * D)
    mesh = plsc.VectorSubcoreMesh(core_axis_name="c", subcore_axis_name="s")
    k = functools.partial(
        pl.kernel,
        mesh=mesh,
        out_type=jax.ShapeDtypeStruct((BATCH // PACK, PACK * D), jnp.float32),
        scratch_types=[
            pltpu.VMEM((B_PER_W,), jnp.int32),
            pltpu.VMEM((B_PER_W,), jnp.int32),
            pltpu.VMEM((P_PER_W, PACK * D), jnp.float32),
            pltpu.VMEM((CHUNK, PACK * D), jnp.float32),
            pltpu.VMEM((CHUNK, PACK * D), jnp.float32),
            pltpu.SemaphoreType.DMA,
        ],
        compiler_params=pltpu.CompilerParams(use_tc_tiling_on_sc=True),
    )(_body)
    out_p = k(labels.astype(jnp.int32), mu_p, sigma_p, z_p)
    return out_p.reshape(BATCH, D)

# --- scband reference (transcript-rebuilt; emitter-appended) ---
"""Pipeline reference for scband-parametrizeg-gaussian-19954418057274 (READ-ONLY COPY).

The authoritative reference and input builder live on the scoring server;
editing this copy changes nothing except your own understanding.
"""

import jax, jax.numpy as jnp
import numpy as np

BATCH = 16384
VOCAB = 1000000
LATENT_DIM = 32


def setup_inputs(seed: int = 0) -> dict:
    key = jax.random.key(seed)
    k1, k2, k3, k4 = jax.random.split(key, 4)
    labels = jax.random.randint(k1, (BATCH,), 0, VOCAB, dtype=jnp.int64 if jax.config.read('jax_enable_x64') else jnp.int32)
    mu_table = jax.random.normal(k2, (VOCAB, LATENT_DIM), dtype=jnp.float32) * 0.02
    sigma_table = jax.random.normal(k3, (VOCAB, LATENT_DIM), dtype=jnp.float32) * 0.02
    # z is the gaussian noise that torch draws internally via torch.randn;
    # we materialize it here so the computation is deterministic.
    z = jax.random.normal(k4, (BATCH, LATENT_DIM), dtype=jnp.float32)
    return {"labels": labels, "mu_table": mu_table, "sigma_table": sigma_table, "z": z}


def reference(labels, mu_table, sigma_table, z):
    # mu, sigma = labels_mu(labels), labels_sigma(labels)
    mu = jnp.take(mu_table, labels, axis=0)
    sigma = jnp.take(sigma_table, labels, axis=0)
    # z * sigma.mul_(0.5).exp_() + mu  ->  z * exp(0.5 * sigma) + mu
    return z * jnp.exp(0.5 * sigma) + mu

if __name__ == "__main__":
    import jax
    _d = setup_inputs()
    print(jax.jit(kernel)(*tuple(_d.values())))

</pallas_src>

<mosaic_0001>
#map = affine_map<(d0, d1) -> (0)>
#map1 = affine_map<(d0, d1) -> (0, 0)>
module attributes {stable_mosaic.version = 14 : i64} {
  func.func @_body(%arg0: i32, %arg1: i32, %arg2: memref<16384xi32, #tpu.memory_space<hbm>>, %arg3: memref<250000x128xf32, #tpu.memory_space<hbm>>, %arg4: memref<250000x128xf32, #tpu.memory_space<hbm>>, %arg5: memref<4096x128xf32, #tpu.memory_space<hbm>>, %arg6: memref<4096x128xf32, #tpu.memory_space<hbm>>, %arg7: memref<512xi32, #tpu.memory_space<vmem>>, %arg8: memref<512xi32, #tpu.memory_space<vmem>>, %arg9: memref<128x128xf32, #tpu.memory_space<vmem>>, %arg10: memref<128x128xf32, #tpu.memory_space<vmem>>, %arg11: memref<128x128xf32, #tpu.memory_space<vmem>>, %arg12: memref<!tpu.dma_semaphore, #tpu.memory_space<semaphore_mem>>) attributes {dimension_semantics = [#tpu.dimension_semantics<core_parallel>, #tpu.dimension_semantics<subcore_parallel>], iteration_bounds = array<i64: 2, 16>, scalar_prefetch = 0 : i64, scratch_operands = 6 : i64, tpu.core_type = #tpu.core_type<sc_vector_subcore>, window_params = [{transform_indices = #map}, {transform_indices = #map1}, {transform_indices = #map1}, {transform_indices = #map1}, {transform_indices = #map1}]} {
    %mul3A = arith.constant 2 : i32
    %mul3A_0 = arith.muli %arg1, %mul3A : i32
    %add3A = arith.addi %mul3A_0, %arg0 : i32
    %mul3A_1 = arith.constant 512 : i32
    %mul3A_2 = arith.muli %add3A, %mul3A_1 : i32
    %mul3A_3 = arith.constant 128 : i32
    %mul3A_4 = arith.muli %add3A, %mul3A_3 : i32
    "tpu.region"() ({
      %run_scoped3A = tpu.sem_alloc : memref<!tpu.dma_semaphore, #tpu.memory_space<semaphore_mem>>
      %dma_start3A_117 = tpu.memref_slice %arg2[%mul3A_2] : memref<16384xi32, #tpu.memory_space<hbm>> -> memref<512xi32, #tpu.memory_space<hbm>>
      %dma_start3A_118 = tpu.memref_slice %arg2[%mul3A_2] : memref<16384xi32, #tpu.memory_space<hbm>> -> memref<512xi32, #tpu.memory_space<hbm>>
      tpu.enqueue_dma source(%dma_start3A_118 : memref<512xi32, #tpu.memory_space<hbm>>) target(%arg7 : memref<512xi32, #tpu.memory_space<vmem>>) target_semaphore(%run_scoped3A : memref<!tpu.dma_semaphore, #tpu.memory_space<semaphore_mem>>)
      %dma_wait3A_119 = tpu.memref_slice %arg2[%mul3A_2] : memref<16384xi32, #tpu.memory_space<hbm>> -> memref<512xi32, #tpu.memory_space<hbm>>
      %dma_wait3A_120 = tpu.memref_slice %arg2[%mul3A_2] : memref<16384xi32, #tpu.memory_space<hbm>> -> memref<512xi32, #tpu.memory_space<hbm>>
      tpu.wait_dma2 semaphore(%run_scoped3A : memref<!tpu.dma_semaphore, #tpu.memory_space<semaphore_mem>>) src(%dma_wait3A_120 : memref<512xi32, #tpu.memory_space<hbm>>) dst(%arg7 : memref<512xi32, #tpu.memory_space<vmem>>)
      tpu.yield
    }) : () -> ()
    %scan3A = arith.constant 0 : i32
    %scan3A_5 = arith.constant 0 : i32
    %scan3A_6 = arith.constant 32 : i32
    %scan3A_7 = arith.addi %scan3A_5, %scan3A_6 : i32
    %scan3A_8 = arith.constant 4 : i32
    %scan3A_9 = scf.for %scan3A_117 = %scan3A_5 to %scan3A_7 step %scan3A_8 iter_args(%scan3A_118 = %scan3A) -> (i32)  : i32 {
      %mul3A_119 = arith.constant 16 : i32
      %mul3A_120 = arith.muli %scan3A_117, %mul3A_119 : i32
      %get3A = arith.index_cast %mul3A_120 : i32 to index
      %get3A_121 = tpu.vector_load %arg7[%get3A] {strides = array<i32>} : memref<512xi32, #tpu.memory_space<vmem>>, vector<16xi32>,
      %get3A_122 = vector.shape_cast %get3A_121 : vector<16xi32> to vector<16xi32>
      %shift_right_logical3A = arith.constant 2 : i32
      %shift_right_logical3A_123 = vector.broadcast %shift_right_logical3A : i32 to vector<16xi32>
      %shift_right_logical3A_124 = arith.shrui %get3A_122, %shift_right_logical3A_123 : vector<16xi32>
      %swap3A = arith.index_cast %mul3A_120 : i32 to index
      %swap3A_125 = tpu.vector_load %arg8[%swap3A] {strides = array<i32>} : memref<512xi32, #tpu.memory_space<vmem>>, vector<16xi32>,
      %swap3A_126 = vector.shape_cast %swap3A_125 : vector<16xi32> to vector<16xi32>
      %swap3A_127 = vector.shape_cast %shift_right_logical3A_124 : vector<16xi32> to vector<16xi32>
      tpu.vector_store %arg8[%swap3A], %swap3A_127 {strides = array<i32>} : memref<512xi32, #tpu.memory_space<vmem>>, vector<16xi32>,
      %scan3A_128 = arith.constant 0 : i32
      %scan3A_129 = arith.constant 1 : i32
      %scan3A_130 = arith.addi %scan3A_117, %scan3A_129 : i32
      %mul3A_131 = arith.constant 16 : i32
      %mul3A_132 = arith.muli %scan3A_130, %mul3A_131 : i32
      %get3A_133 = arith.index_cast %mul3A_132 : i32 to index
      %get3A_134 = tpu.vector_load %arg7[%get3A_133] {strides = array<i32>} : memref<512xi32, #tpu.memory_space<vmem>>, vector<16xi32>,
      %get3A_135 = vector.shape_cast %get3A_134 : vector<16xi32> to vector<16xi32>
      %shift_right_logical3A_136 = arith.constant 2 : i32
      %shift_right_logical3A_137 = vector.broadcast %shift_right_logical3A_136 : i32 to vector<16xi32>
      %shift_right_logical3A_138 = arith.shrui %get3A_135, %shift_right_logical3A_137 : vector<16xi32>
      %swap3A_139 = arith.index_cast %mul3A_132 : i32 to index
      %swap3A_140 = tpu.vector_load %arg8[%swap3A_139] {strides = array<i32>} : memref<512xi32, #tpu.memory_space<vmem>>, vector<16xi32>,
      %swap3A_141 = vector.shape_cast %swap3A_140 : vector<16xi32> to vector<16xi32>
      %swap3A_142 = vector.shape_cast %shift_right_logical3A_138 : vector<16xi32> to vector<16xi32>
      tpu.vector_store %arg8[%swap3A_139], %swap3A_142 {strides = array<i32>} : memref<512xi32, #tpu.memory_space<vmem>>, vector<16xi32>,
      %scan3A_143 = arith.constant 0 : i32
      %scan3A_144 = arith.constant 2 : i32
      %scan3A_145 = arith.addi %scan3A_117, %scan3A_144 : i32
      %mul3A_146 = arith.constant 16 : i32
      %mul3A_147 = arith.muli %scan3A_145, %mul3A_146 : i32
      %get3A_148 = arith.index_cast %mul3A_147 : i32 to index
      %get3A_149 = tpu.vector_load %arg7[%get3A_148] {strides = array<i32>} : memref<512xi32, #tpu.memory_space<vmem>>, vector<16xi32>,
      %get3A_150 = vector.shape_cast %get3A_149 : vector<16xi32> to vector<16xi32>
      %shift_right_logical3A_151 = arith.constant 2 : i32
      %shift_right_logical3A_152 = vector.broadcast %shift_right_logical3A_151 : i32 to vector<16xi32>
      %shift_right_logical3A_153 = arith.shrui %get3A_150, %shift_right_logical3A_152 : vector<16xi32>
      %swap3A_154 = arith.index_cast %mul3A_147 : i32 to index
      %swap3A_155 = tpu.vector_load %arg8[%swap3A_154] {strides = array<i32>} : memref<512xi32, #tpu.memory_space<vmem>>, vector<16xi32>,
      %swap3A_156 = vector.shape_cast %swap3A_155 : vector<16xi32> to vector<16xi32>
      %swap3A_157 = vector.shape_cast %shift_right_logical3A_153 : vector<16xi32> to vector<16xi32>
      tpu.vector_store %arg8[%swap3A_154], %swap3A_157 {strides = array<i32>} : memref<512xi32, #tpu.memory_space<vmem>>, vector<16xi32>,
      %scan3A_158 = arith.constant 0 : i32
      %scan3A_159 = arith.constant 3 : i32
      %scan3A_160 = arith.addi %scan3A_117, %scan3A_159 : i32
      %mul3A_161 = arith.constant 16 : i32
      %mul3A_162 = arith.muli %scan3A_160, %mul3A_161 : i32
      %get3A_163 = arith.index_cast %mul3A_162 : i32 to index
      %get3A_164 = tpu.vector_load %arg7[%get3A_163] {strides = array<i32>} : memref<512xi32, #tpu.memory_space<vmem>>, vector<16xi32>,
      %get3A_165 = vector.shape_cast %get3A_164 : vector<16xi32> to vector<16xi32>
      %shift_right_logical3A_166 = arith.constant 2 : i32
      %shift_right_logical3A_167 = vector.broadcast %shift_right_logical3A_166 : i32 to vector<16xi32>
      %shift_right_logical3A_168 = arith.shrui %get3A_165, %shift_right_logical3A_167 : vector<16xi32>
      %swap3A_169 = arith.index_cast %mul3A_162 : i32 to index
      %swap3A_170 = tpu.vector_load %arg8[%swap3A_169] {strides = array<i32>} : memref<512xi32, #tpu.memory_space<vmem>>, vector<16xi32>,
      %swap3A_171 = vector.shape_cast %swap3A_170 : vector<16xi32> to vector<16xi32>
      %swap3A_172 = vector.shape_cast %shift_right_logical3A_168 : vector<16xi32> to vector<16xi32>
      tpu.vector_store %arg8[%swap3A_169], %swap3A_172 {strides = array<i32>} : memref<512xi32, #tpu.memory_space<vmem>>, vector<16xi32>,
      %scan3A_173 = arith.constant 0 : i32
      scf.yield %scan3A_173 : i32
    }
    %scan3A_10 = arith.constant 32 : i32
    "tpu.region"() ({
      %run_scoped3A = tpu.sem_alloc : memref<!tpu.dma_semaphore, #tpu.memory_space<semaphore_mem>>
      %dma_start3A_117 = arith.constant 0 : i32
      %dma_start3A_118 = tpu.memref_slice %arg5[%mul3A_4, %dma_start3A_117] : memref<4096x128xf32, #tpu.memory_space<hbm>> -> memref<128x128xf32, #tpu.memory_space<hbm>>
      %dma_start3A_119 = arith.constant 0 : i32
      %dma_start3A_120 = tpu.memref_slice %arg5[%mul3A_4, %dma_start3A_119] : memref<4096x128xf32, #tpu.memory_space<hbm>> -> memref<128x128xf32, #tpu.memory_space<hbm>>
      tpu.enqueue_dma source(%dma_start3A_120 : memref<128x128xf32, #tpu.memory_space<hbm>>) target(%arg9 : memref<128x128xf32, #tpu.memory_space<vmem>>) target_semaphore(%run_scoped3A : memref<!tpu.dma_semaphore, #tpu.memory_space<semaphore_mem>>)
      %dma_wait3A_121 = arith.constant 0 : i32
      %dma_wait3A_122 = tpu.memref_slice %arg5[%mul3A_4, %dma_wait3A_121] : memref<4096x128xf32, #tpu.memory_space<hbm>> -> memref<128x128xf32, #tpu.memory_space<hbm>>
      %dma_wait3A_123 = arith.constant 0 : i32
      %dma_wait3A_124 = tpu.memref_slice %arg5[%mul3A_4, %dma_wait3A_123] : memref<4096x128xf32, #tpu.memory_space<hbm>> -> memref<128x128xf32, #tpu.memory_space<hbm>>
      tpu.wait_dma2 semaphore(%run_scoped3A : memref<!tpu.dma_semaphore, #tpu.memory_space<semaphore_mem>>) src(%dma_wait3A_124 : memref<128x128xf32, #tpu.memory_space<hbm>>) dst(%arg9 : memref<128x128xf32, #tpu.memory_space<vmem>>)
      tpu.yield
    }) : () -> ()
    %dma_start3A = arith.constant 0 : i32
    %dma_start3A_11 = tpu.memref_slice %arg8[%dma_start3A] : memref<512xi32, #tpu.memory_space<vmem>> -> memref<128xi32, #tpu.memory_space<vmem>>
    %dma_start3A_12 = arith.constant 0 : i32
    %dma_start3A_13 = arith.constant 0 : i32
    %dma_start3A_14 = tpu.memref_slice %arg3[%dma_start3A_12, %dma_start3A_13] : memref<250000x128xf32, #tpu.memory_space<hbm>> -> memref<250000x128xf32, #tpu.memory_space<hbm>>
    tpu.enqueue_indirect_dma source(%dma_start3A_14 : memref<250000x128xf32, #tpu.memory_space<hbm>>) target(%arg10 : memref<128x128xf32, #tpu.memory_space<vmem>>) offsets(%dma_start3A_11 : memref<128xi32, #tpu.memory_space<vmem>>) semaphore(%arg12 : memref<!tpu.dma_semaphore, #tpu.memory_space<semaphore_mem>>)
    %dma_start3A_15 = arith.constant 0 : i32
    %dma_start3A_16 = tpu.memref_slice %arg8[%dma_start3A_15] : memref<512xi32, #tpu.memory_space<vmem>> -> memref<128xi32, #tpu.memory_space<vmem>>
    %dma_start3A_17 = arith.constant 0 : i32
    %dma_start3A_18 = arith.constant 0 : i32
    %dma_start3A_19 = tpu.memref_slice %arg4[%dma_start3A_17, %dma_start3A_18] : memref<250000x128xf32, #tpu.memory_space<hbm>> -> memref<250000x128xf32, #tpu.memory_space<hbm>>
    tpu.enqueue_indirect_dma source(%dma_start3A_19 : memref<250000x128xf32, #tpu.memory_space<hbm>>) target(%arg11 : memref<128x128xf32, #tpu.memory_space<vmem>>) offsets(%dma_start3A_16 : memref<128xi32, #tpu.memory_space<vmem>>) semaphore(%arg12 : memref<!tpu.dma_semaphore, #tpu.memory_space<semaphore_mem>>)
    %dma_wait3A = arith.constant 0 : i32
    %dma_wait3A_20 = tpu.memref_slice %arg8[%dma_wait3A] : memref<512xi32, #tpu.memory_space<vmem>> -> memref<128xi32, #tpu.memory_space<vmem>>
    %dma_wait3A_21 = arith.constant 0 : i32
    %dma_wait3A_22 = arith.constant 0 : i32
    %dma_wait3A_23 = tpu.memref_slice %arg3[%dma_wait3A_21, %dma_wait3A_22] : memref<250000x128xf32, #tpu.memory_space<hbm>> -> memref<250000x128xf32, #tpu.memory_space<hbm>>
    tpu.wait_indirect_dma semaphore(%arg12 : memref<!tpu.dma_semaphore, #tpu.memory_space<semaphore_mem>>) src(%dma_wait3A_23 : memref<250000x128xf32, #tpu.memory_space<hbm>>) dst(%arg10 : memref<128x128xf32, #tpu.memory_space<vmem>>)
    %dma_wait3A_24 = arith.constant 0 : i32
    %dma_wait3A_25 = tpu.memref_slice %arg8[%dma_wait3A_24] : memref<512xi32, #tpu.memory_space<vmem>> -> memref<128xi32, #tpu.memory_space<vmem>>
    %dma_wait3A_26 = arith.constant 0 : i32
    %dma_wait3A_27 = arith.constant 0 : i32
    %dma_wait3A_28 = tpu.memref_slice %arg4[%dma_wait3A_26, %dma_wait3A_27] : memref<250000x128xf32, #tpu.memory_space<hbm>> -> memref<250000x128xf32, #tpu.memory_space<hbm>>
    tpu.wait_indirect_dma semaphore(%arg12 : memref<!tpu.dma_semaphore, #tpu.memory_space<semaphore_mem>>) src(%dma_wait3A_28 : memref<250000x128xf32, #tpu.memory_space<hbm>>) dst(%arg11 : memref<128x128xf32, #tpu.memory_space<vmem>>)
    %scan3A_29 = arith.constant 0 : i32
    %scan3A_30 = arith.constant 0 : i32
    %scan3A_31 = arith.constant 128 : i32
    %scan3A_32 = arith.addi %scan3A_30, %scan3A_31 : i32
    %scan3A_33 = arith.constant 4 : i32
    %scan3A_34 = scf.for %scan3A_117 = %scan3A_30 to %scan3A_32 step %scan3A_33 iter_args(%scan3A_118 = %scan3A_29) -> (i32)  : i32 {
      %div3A = arith.constant 4 : i32
      %div3A_119 = arith.divsi %scan3A_117, %div3A : i32
      %add3A_120 = arith.constant 0 : i32
      %add3A_121 = arith.addi %add3A_120, %div3A_119 : i32
      %add3A_122 = arith.constant 0 : i32
      %add3A_123 = arith.addi %add3A_122, %scan3A_117 : i32
      %get3A = arith.index_cast %add3A_123 : i32 to index
      %get3A_124 = tpu.vector_load %arg7[%get3A] {strides = array<i32>} : memref<512xi32, #tpu.memory_space<vmem>>, vector<1xi32>,
      %get3A_125 = vector.shape_cast %get3A_124 : vector<1xi32> to vector<1xi32>
      %squeeze3A = vector.extract %get3A_125[0] : i32 from vector<1xi32>
      %and3A = arith.constant 3 : i32
      %and3A_126 = arith.andi %squeeze3A, %and3A : i32
      %shift_left3A = arith.constant 5 : i32
      %shift_left3A_127 = arith.shli %and3A_126, %shift_left3A : i32
      %rem3A = arith.constant 4 : i32
      %rem3A_128 = arith.remsi %scan3A_117, %rem3A : i32
      %mul3A_129 = arith.constant 32 : i32
      %mul3A_130 = arith.muli %rem3A_128, %mul3A_129 : i32
      %add3A_131 = arith.constant 0 : i32
      %add3A_132 = arith.addi %mul3A_130, %add3A_131 : i32
      %add3A_133 = arith.constant 0 : i32
      %add3A_134 = arith.addi %shift_left3A_127, %add3A_133 : i32
      %get3A_135 = arith.index_cast %scan3A_117 : i32 to index
      %get3A_136 = arith.index_cast %add3A_134 : i32 to index
      %get3A_137 = tpu.vector_load %arg11[%get3A_135, %get3A_136] {strides = array<i32>} : memref<128x128xf32, #tpu.memory_space<vmem>>, vector<1x16xf32>,
      %get3A_138 = vector.shape_cast %get3A_137 : vector<1x16xf32> to vector<16xf32>
      %get3A_139 = arith.index_cast %add3A_121 : i32 to index
      %get3A_140 = arith.index_cast %add3A_132 : i32 to index
      %get3A_141 = tpu.vector_load %arg9[%get3A_139, %get3A_140] {strides = array<i32>} : memref<128x128xf32, #tpu.memory_space<vmem>>, vector<1x16xf32>,
      %get3A_142 = vector.shape_cast %get3A_141 : vector<1x16xf32> to vector<16xf32>
      %mul3A_143 = arith.constant 5.000000e-01 : f32
      %mul3A_144 = vector.broadcast %mul3A_143 : f32 to vector<16xf32>
      %mul3A_145 = arith.mulf %mul3A_144, %get3A_138 : vector<16xf32>
      %exp3A = math.exp %mul3A_145 : vector<16xf32>
      %mul3A_146 = arith.mulf %get3A_142, %exp3A : vector<16xf32>
      %get3A_147 = arith.index_cast %scan3A_117 : i32 to index
      %get3A_148 = arith.index_cast %add3A_134 : i32 to index
      %get3A_149 = tpu.vector_load %arg10[%get3A_147, %get3A_148] {strides = array<i32>} : memref<128x128xf32, #tpu.memory_space<vmem>>, vector<1x16xf32>,
      %get3A_150 = vector.shape_cast %get3A_149 : vector<1x16xf32> to vector<16xf32>
      %add3A_151 = arith.addf %mul3A_146, %get3A_150 : vector<16xf32>
      %swap3A = arith.index_cast %add3A_121 : i32 to index
      %swap3A_152 = arith.index_cast %add3A_132 : i32 to index
      %swap3A_153 = tpu.vector_load %arg9[%swap3A, %swap3A_152] {strides = array<i32>} : memref<128x128xf32, #tpu.memory_space<vmem>>, vector<1x16xf32>,
      %swap3A_154 = vector.shape_cast %swap3A_153 : vector<1x16xf32> to vector<16xf32>
      %swap3A_155 = vector.shape_cast %add3A_151 : vector<16xf32> to vector<1x16xf32>
      tpu.vector_store %arg9[%swap3A, %swap3A_152], %swap3A_155 {strides = array<i32>} : memref<128x128xf32, #tpu.memory_space<vmem>>, vector<1x16xf32>,
      %add3A_156 = arith.constant 16 : i32
      %add3A_157 = arith.addi %mul3A_130, %add3A_156 : i32
      %add3A_158 = arith.constant 16 : i32
      %add3A_159 = arith.addi %shift_left3A_127, %add3A_158 : i32
      %get3A_160 = arith.index_cast %scan3A_117 : i32 to index
      %get3A_161 = arith.index_cast %add3A_159 : i32 to index
      %get3A_162 = tpu.vector_load %arg11[%get3A_160, %get3A_161] {strides = array<i32>} : memref<128x128xf32, #tpu.memory_space<vmem>>, vector<1x16xf32>,
      %get3A_163 = vector.shape_cast %get3A_162 : vector<1x16xf32> to vector<16xf32>
      %get3A_164 = arith.index_cast %add3A_121 : i32 to index
      %get3A_165 = arith.index_cast %add3A_157 : i32 to index
      %get3A_166 = tpu.vector_load %arg9[%get3A_164, %get3A_165] {strides = array<i32>} : memref<128x128xf32, #tpu.memory_space<vmem>>, vector<1x16xf32>,
      %get3A_167 = vector.shape_cast %get3A_166 : vector<1x16xf32> to vector<16xf32>
      %mul3A_168 = arith.constant 5.000000e-01 : f32
      %mul3A_169 = vector.broadcast %mul3A_168 : f32 to vector<16xf32>
      %mul3A_170 = arith.mulf %mul3A_169, %get3A_163 : vector<16xf32>
      %exp3A_171 = math.exp %mul3A_170 : vector<16xf32>
      %mul3A_172 = arith.mulf %get3A_167, %exp3A_171 : vector<16xf32>
      %get3A_173 = arith.index_cast %scan3A_117 : i32 to index
      %get3A_174 = arith.index_cast %add3A_159 : i32 to index
      %get3A_175 = tpu.vector_load %arg10[%get3A_173, %get3A_174] {strides = array<i32>} : memref<128x128xf32, #tpu.memory_space<vmem>>, vector<1x16xf32>,
      %get3A_176 = vector.shape_cast %get3A_175 : vector<1x16xf32> to vector<16xf32>
      %add3A_177 = arith.addf %mul3A_172, %get3A_176 : vector<16xf32>
      %swap3A_178 = arith.index_cast %add3A_121 : i32 to index
      %swap3A_179 = arith.index_cast %add3A_157 : i32 to index
      %swap3A_180 = tpu.vector_load %arg9[%swap3A_178, %swap3A_179] {strides = array<i32>} : memref<128x128xf32, #tpu.memory_space<vmem>>, vector<1x16xf32>,
      %swap3A_181 = vector.shape_cast %swap3A_180 : vector<1x16xf32> to vector<16xf32>
      %swap3A_182 = vector.shape_cast %add3A_177 : vector<16xf32> to vector<1x16xf32>
      tpu.vector_store %arg9[%swap3A_178, %swap3A_179], %swap3A_182 {strides = array<i32>} : memref<128x128xf32, #tpu.memory_space<vmem>>, vector<1x16xf32>,
      %scan3A_183 = arith.constant 0 : i32
      %scan3A_184 = arith.constant 1 : i32
      %scan3A_185 = arith.addi %scan3A_117, %scan3A_184 : i32
      %div3A_186 = arith.constant 4 : i32
      %div3A_187 = arith.divsi %scan3A_185, %div3A_186 : i32
      %add3A_188 = arith.constant 0 : i32
      %add3A_189 = arith.addi %add3A_188, %div3A_187 : i32
      %add3A_190 = arith.constant 0 : i32
      %add3A_191 = arith.addi %add3A_190, %scan3A_185 : i32
      %get3A_192 = arith.index_cast %add3A_191 : i32 to index
      %get3A_193 = tpu.vector_load %arg7[%get3A_192] {strides = array<i32>} : memref<512xi32, #tpu.memory_space<vmem>>, vector<1xi32>,
      %get3A_194 = vector.shape_cast %get3A_193 : vector<1xi32> to vector<1xi32>
      %squeeze3A_195 = vector.extract %get3A_194[0] : i32 from vector<1xi32>
      %and3A_196 = arith.constant 3 : i32
      %and3A_197 = arith.andi %squeeze3A_195, %and3A_196 : i32
      %shift_left3A_198 = arith.constant 5 : i32
      %shift_left3A_199 = arith.shli %and3A_197, %shift_left3A_198 : i32
      %rem3A_200 = arith.constant 4 : i32
      %rem3A_201 = arith.remsi %scan3A_185, %rem3A_200 : i32
      %mul3A_202 = arith.constant 32 : i32
      %mul3A_203 = arith.muli %rem3A_201, %mul3A_202 : i32
      %add3A_204 = arith.constant 0 : i32
      %add3A_205 = arith.addi %mul3A_203, %add3A_204 : i32
      %add3A_206 = arith.constant 0 : i32
      %add3A_207 = arith.addi %shift_left3A_199, %add3A_206 : i32
      %get3A_208 = arith.index_cast %scan3A_185 : i32 to index
      %get3A_209 = arith.index_cast %add3A_207 : i32 to index
      %get3A_210 = tpu.vector_load %arg11[%get3A_208, %get3A_209] {strides = array<i32>} : memref<128x128xf32, #tpu.memory_space<vmem>>, vector<1x16xf32>,
      %get3A_211 = vector.shape_cast %get3A_210 : vector<1x16xf32> to vector<16xf32>
      %get3A_212 = arith.index_cast %add3A_189 : i32 to index
      %get3A_213 = arith.index_cast %add3A_205 : i32 to index
      %get3A_214 = tpu.vector_load %arg9[%get3A_212, %get3A_213] {strides = array<i32>} : memref<128x128xf32, #tpu.memory_space<vmem>>, vector<1x16xf32>,
      %get3A_215 = vector.shape_cast %get3A_214 : vector<1x16xf32> to vector<16xf32>
      %mul3A_216 = arith.constant 5.000000e-01 : f32
      %mul3A_217 = vector.broadcast %mul3A_216 : f32 to vector<16xf32>
      %mul3A_218 = arith.mulf %mul3A_217, %get3A_211 : vector<16xf32>
      %exp3A_219 = math.exp %mul3A_218 : vector<16xf32>
      %mul3A_220 = arith.mulf %get3A_215, %exp3A_219 : vector<16xf32>
      %get3A_221 = arith.index_cast %scan3A_185 : i32 to index
      %get3A_222 = arith.index_cast %add3A_207 : i32 to index
      %get3A_223 = tpu.vector_load %arg10[%get3A_221, %get3A_222] {strides = array<i32>} : memref<128x128xf32, #tpu.memory_space<vmem>>, vector<1x16xf32>,
      %get3A_224 = vector.shape_cast %get3A_223 : vector<1x16xf32> to vector<16xf32>
      %add3A_225 = arith.addf %mul3A_220, %get3A_224 : vector<16xf32>
      %swap3A_226 = arith.index_cast %add3A_189 : i32 to index
      %swap3A_227 = arith.index_cast %add3A_205 : i32 to index
      %swap3A_228 = tpu.vector_load %arg9[%swap3A_226, %swap3A_227] {strides = array<i32>} : memref<128x128xf32, #tpu.memory_space<vmem>>, vector<1x16xf32>,
      %swap3A_229 = vector.shape_cast %swap3A_228 : vector<1x16xf32> to vector<16xf32>
      %swap3A_230 = vector.shape_cast %add3A_225 : vector<16xf32> to vector<1x16xf32>
      tpu.vector_store %arg9[%swap3A_226, %swap3A_227], %swap3A_230 {strides = array<i32>} : memref<128x128xf32, #tpu.memory_space<vmem>>, vector<1x16xf32>,
      %add3A_231 = arith.constant 16 : i32
      %add3A_232 = arith.addi %mul3A_203, %add3A_231 : i32
      %add3A_233 = arith.constant 16 : i32
      %add3A_234 = arith.addi %shift_left3A_199, %add3A_233 : i32
      %get3A_235 = arith.index_cast %scan3A_185 : i32 to index
      %get3A_236 = arith.index_cast %add3A_234 : i32 to index
      %get3A_237 = tpu.vector_load %arg11[%get3A_235, %get3A_236] {strides = array<i32>} : memref<128x128xf32, #tpu.memory_space<vmem>>, vector<1x16xf32>,
      %get3A_238 = vector.shape_cast %get3A_237 : vector<1x16xf32> to vector<16xf32>
      %get3A_239 = arith.index_cast %add3A_189 : i32 to index
      %get3A_240 = arith.index_cast %add3A_232 : i32 to index
      %get3A_241 = tpu.vector_load %arg9[%get3A_239, %get3A_240] {strides = array<i32>} : memref<128x128xf32, #tpu.memory_space<vmem>>, vector<1x16xf32>,
      %get3A_242 = vector.shape_cast %get3A_241 : vector<1x16xf32> to vector<16xf32>
      %mul3A_243 = arith.constant 5.000000e-01 : f32
      %mul3A_244 = vector.broadcast %mul3A_243 : f32 to vector<16xf32>
      %mul3A_245 = arith.mulf %mul3A_244, %get3A_238 : vector<16xf32>
      %exp3A_246 = math.exp %mul3A_245 : vector<16xf32>
      %mul3A_247 = arith.mulf %get3A_242, %exp3A_246 : vector<16xf32>
      %get3A_248 = arith.index_cast %scan3A_185 : i32 to index
      %get3A_249 = arith.index_cast %add3A_234 : i32 to index
      %get3A_250 = tpu.vector_load %arg10[%get3A_248, %get3A_249] {strides = array<i32>} : memref<128x128xf32, #tpu.memory_space<vmem>>, vector<1x16xf32>,
      %get3A_251 = vector.shape_cast %get3A_250 : vector<1x16xf32> to vector<16xf32>
      %add3A_252 = arith.addf %mul3A_247, %get3A_251 : vector<16xf32>
      %swap3A_253 = arith.index_cast %add3A_189 : i32 to index
      %swap3A_254 = arith.index_cast %add3A_232 : i32 to index
      %swap3A_255 = tpu.vector_load %arg9[%swap3A_253, %swap3A_254] {strides = array<i32>} : memref<128x128xf32, #tpu.memory_space<vmem>>, vector<1x16xf32>,
      %swap3A_256 = vector.shape_cast %swap3A_255 : vector<1x16xf32> to vector<16xf32>
      %swap3A_257 = vector.shape_cast %add3A_252 : vector<16xf32> to vector<1x16xf32>
      tpu.vector_store %arg9[%swap3A_253, %swap3A_254], %swap3A_257 {strides = array<i32>} : memref<128x128xf32, #tpu.memory_space<vmem>>, vector<1x16xf32>,
      %scan3A_258 = arith.constant 0 : i32
      %scan3A_259 = arith.constant 2 : i32
      %scan3A_260 = arith.addi %scan3A_117, %scan3A_259 : i32
      %div3A_261 = arith.constant 4 : i32
      %div3A_262 = arith.divsi %scan3A_260, %div3A_261 : i32
      %add3A_263 = arith.constant 0 : i32
      %add3A_264 = arith.addi %add3A_263, %div3A_262 : i32
      %add3A_265 = arith.constant 0 : i32
      %add3A_266 = arith.addi %add3A_265, %scan3A_260 : i32
      %get3A_267 = arith.index_cast %add3A_266 : i32 to index
      %get3A_268 = tpu.vector_load %arg7[%get3A_267] {strides = array<i32>} : memref<512xi32, #tpu.memory_space<vmem>>, vector<1xi32>,
      %get3A_269 = vector.shape_cast %get3A_268 : vector<1xi32> to vector<1xi32>
      %squeeze3A_270 = vector.extract %get3A_269[0] : i32 from vector<1xi32>
      %and3A_271 = arith.constant 3 : i32
      %and3A_272 = arith.andi %squeeze3A_270, %and3A_271 : i32
      %shift_left3A_273 = arith.constant 5 : i32
      %shift_left3A_274 = arith.shli %and3A_272, %shift_left3A_273 : i32
      %rem3A_275 = arith.constant 4 : i32
      %rem3A_276 = arith.remsi %scan3A_260, %rem3A_275 : i32
      %mul3A_277 = arith.constant 32 : i32
      %mul3A_278 = arith.muli %rem3A_276, %mul3A_277 : i32
      %add3A_279 = arith.constant 0 : i32
      %add3A_280 = arith.addi %mul3A_278, %add3A_279 : i32
      %add3A_281 = arith.constant 0 : i32
      %add3A_282 = arith.addi %shift_left3A_274, %add3A_281 : i32
      %get3A_283 = arith.index_cast %scan3A_260 : i32 to index
      %get3A_284 = arith.index_cast %add3A_282 : i32 to index
      %get3A_285 = tpu.vector_load %arg11[%get3A_283, %get3A_284] {strides = array<i32>} : memref<128x128xf32, #tpu.memory_space<vmem>>, vector<1x16xf32>,
      %get3A_286 = vector.shape_cast %get3A_285 : vector<1x16xf32> to vector<16xf32>
      %get3A_287 = arith.index_cast %add3A_264 : i32 to index
      %get3A_288 = arith.index_cast %add3A_280 : i32 to index
      %get3A_289 = tpu.vector_load %arg9[%get3A_287, %get3A_288] {strides = array<i32>} : memref<128x128xf32, #tpu.memory_space<vmem>>, vector<1x16xf32>,
      %get3A_290 = vector.shape_cast %get3A_289 : vector<1x16xf32> to vector<16xf32>
      %mul3A_291 = arith.constant 5.000000e-01 : f32
      %mul3A_292 = vector.broadcast %mul3A_291 : f32 to vector<16xf32>
      %mul3A_293 = arith.mulf %mul3A_292, %get3A_286 : vector<16xf32>
      %exp3A_294 = math.exp %mul3A_293 : vector<16xf32>
      %mul3A_295 = arith.mulf %get3A_290, %exp3A_294 : vector<16xf32>
      %get3A_296 = arith.index_cast %scan3A_260 : i32 to index
      %get3A_297 = arith.index_cast %add3A_282 : i32 to index
      %get3A_298 = tpu.vector_load %arg10[%get3A_296, %get3A_297] {strides = array<i32>} : memref<128x128xf32, #tpu.memory_space<vmem>>, vector<1x16xf32>,
      %get3A_299 = vector.shape_cast %get3A_298 : vector<1x16xf32> to vector<16xf32>
      %add3A_300 = arith.addf %mul3A_295, %get3A_299 : vector<16xf32>
      %swap3A_301 = arith.index_cast %add3A_264 : i32 to index
      %swap3A_302 = arith.index_cast %add3A_280 : i32 to index
      %swap3A_303 = tpu.vector_load %arg9[%swap3A_301, %swap3A_302] {strides = array<i32>} : memref<128x128xf32, #tpu.memory_space<vmem>>, vector<1x16xf32>,
      %swap3A_304 = vector.shape_cast %swap3A_303 : vector<1x16xf32> to vector<16xf32>
      %swap3A_305 = vector.shape_cast %add3A_300 : vector<16xf32> to vector<1x16xf32>
      tpu.vector_store %arg9[%swap3A_301, %swap3A_302], %swap3A_305 {strides = array<i32>} : memref<128x128xf32, #tpu.memory_space<vmem>>, vector<1x16xf32>,
      %add3A_306 = arith.constant 16 : i32
      %add3A_307 = arith.addi %mul3A_278, %add3A_306 : i32
      %add3A_308 = arith.constant 16 : i32
      %add3A_309 = arith.addi %shift_left3A_274, %add3A_308 : i32
      %get3A_310 = arith.index_cast %scan3A_260 : i32 to index
      %get3A_311 = arith.index_cast %add3A_309 : i32 to index
      %get3A_312 = tpu.vector_load %arg11[%get3A_310, %get3A_311] {strides = array<i32>} : memref<128x128xf32, #tpu.memory_space<vmem>>, vector<1x16xf32>,
      %get3A_313 = vector.shape_cast %get3A_312 : vector<1x16xf32> to vector<16xf32>
      %get3A_314 = arith.index_cast %add3A_264 : i32 to index
      %get3A_315 = arith.index_cast %add3A_307 : i32 to index
      %get3A_316 = tpu.vector_load %arg9[%get3A_314, %get3A_315] {strides = array<i32>} : memref<128x128xf32, #tpu.memory_space<vmem>>, vector<1x16xf32>,
      %get3A_317 = vector.shape_cast %get3A_316 : vector<1x16xf32> to vector<16xf32>
      %mul3A_318 = arith.constant 5.000000e-01 : f32
      %mul3A_319 = vector.broadcast %mul3A_318 : f32 to vector<16xf32>
      %mul3A_320 = arith.mulf %mul3A_319, %get3A_313 : vector<16xf32>
      %exp3A_321 = math.exp %mul3A_320 : vector<16xf32>
      %mul3A_322 = arith.mulf %get3A_317, %exp3A_321 : vector<16xf32>
      %get3A_323 = arith.index_cast %scan3A_260 : i32 to index
      %get3A_324 = arith.index_cast %add3A_309 : i32 to index
      %get3A_325 = tpu.vector_load %arg10[%get3A_323, %get3A_324] {strides = array<i32>} : memref<128x128xf32, #tpu.memory_space<vmem>>, vector<1x16xf32>,
      %get3A_326 = vector.shape_cast %get3A_325 : vector<1x16xf32> to vector<16xf32>
      %add3A_327 = arith.addf %mul3A_322, %get3A_326 : vector<16xf32>
      %swap3A_328 = arith.index_cast %add3A_264 : i32 to index
      %swap3A_329 = arith.index_cast %add3A_307 : i32 to index
      %swap3A_330 = tpu.vector_load %arg9[%swap3A_328, %swap3A_329] {strides = array<i32>} : memref<128x128xf32, #tpu.memory_space<vmem>>, vector<1x16xf32>,
      %swap3A_331 = vector.shape_cast %swap3A_330 : vector<1x16xf32> to vector<16xf32>
      %swap3A_332 = vector.shape_cast %add3A_327 : vector<16xf32> to vector<1x16xf32>
      tpu.vector_store %arg9[%swap3A_328, %swap3A_329], %swap3A_332 {strides = array<i32>} : memref<128x128xf32, #tpu.memory_space<vmem>>, vector<1x16xf32>,
      %scan3A_333 = arith.constant 0 : i32
      %scan3A_334 = arith.constant 3 : i32
      %scan3A_335 = arith.addi %scan3A_117, %scan3A_334 : i32
      %div3A_336 = arith.constant 4 : i32
      %div3A_337 = arith.divsi %scan3A_335, %div3A_336 : i32
      %add3A_338 = arith.constant 0 : i32
      %add3A_339 = arith.addi %add3A_338, %div3A_337 : i32
      %add3A_340 = arith.constant 0 : i32
      %add3A_341 = arith.addi %add3A_340, %scan3A_335 : i32
      %get3A_342 = arith.index_cast %add3A_341 : i32 to index
      %get3A_343 = tpu.vector_load %arg7[%get3A_342] {strides = array<i32>} : memref<512xi32, #tpu.memory_space<vmem>>, vector<1xi32>,
      %get3A_344 = vector.shape_cast %get3A_343 : vector<1xi32> to vector<1xi32>
      %squeeze3A_345 = vector.extract %get3A_344[0] : i32 from vector<1xi32>
      %and3A_346 = arith.constant 3 : i32
      %and3A_347 = arith.andi %squeeze3A_345, %and3A_346 : i32
      %shift_left3A_348 = arith.constant 5 : i32
      %shift_left3A_349 = arith.shli %and3A_347, %shift_left3A_348 : i32
      %rem3A_350 = arith.constant 4 : i32
      %rem3A_351 = arith.remsi %scan3A_335, %rem3A_350 : i32
      %mul3A_352 = arith.constant 32 : i32
      %mul3A_353 = arith.muli %rem3A_351, %mul3A_352 : i32
      %add3A_354 = arith.constant 0 : i32
      %add3A_355 = arith.addi %mul3A_353, %add3A_354 : i32
      %add3A_356 = arith.constant 0 : i32
      %add3A_357 = arith.addi %shift_left3A_349, %add3A_356 : i32
      %get3A_358 = arith.index_cast %scan3A_335 : i32 to index
      %get3A_359 = arith.index_cast %add3A_357 : i32 to index
      %get3A_360 = tpu.vector_load %arg11[%get3A_358, %get3A_359] {strides = array<i32>} : memref<128x128xf32, #tpu.memory_space<vmem>>, vector<1x16xf32>,
      %get3A_361 = vector.shape_cast %get3A_360 : vector<1x16xf32> to vector<16xf32>
      %get3A_362 = arith.index_cast %add3A_339 : i32 to index
      %get3A_363 = arith.index_cast %add3A_355 : i32 to index
      %get3A_364 = tpu.vector_load %arg9[%get3A_362, %get3A_363] {strides = array<i32>} : memref<128x128xf32, #tpu.memory_space<vmem>>, vector<1x16xf32>,
      %get3A_365 = vector.shape_cast %get3A_364 : vector<1x16xf32> to vector<16xf32>
      %mul3A_366 = arith.constant 5.000000e-01 : f32
      %mul3A_367 = vector.broadcast %mul3A_366 : f32 to vector<16xf32>
      %mul3A_368 = arith.mulf %mul3A_367, %get3A_361 : vector<16xf32>
      %exp3A_369 = math.exp %mul3A_368 : vector<16xf32>
      %mul3A_370 = arith.mulf %get3A_365, %exp3A_369 : vector<16xf32>
      %get3A_371 = arith.index_cast %scan3A_335 : i32 to index
      %get3A_372 = arith.index_cast %add3A_357 : i32 to index
      %get3A_373 = tpu.vector_load %arg10[%get3A_371, %get3A_372] {strides = array<i32>} : memref<128x128xf32, #tpu.memory_space<vmem>>, vector<1x16xf32>,
      %get3A_374 = vector.shape_cast %get3A_373 : vector<1x16xf32> to vector<16xf32>
      %add3A_375 = arith.addf %mul3A_370, %get3A_374 : vector<16xf32>
      %swap3A_376 = arith.index_cast %add3A_339 : i32 to index
      %swap3A_377 = arith.index_cast %add3A_355 : i32 to index
      %swap3A_378 = tpu.vector_load %arg9[%swap3A_376, %swap3A_377] {strides = array<i32>} : memref<128x128xf32, #tpu.memory_space<vmem>>, vector<1x16xf32>,
      %swap3A_379 = vector.shape_cast %swap3A_378 : vector<1x16xf32> to vector<16xf32>
      %swap3A_380 = vector.shape_cast %add3A_375 : vector<16xf32> to vector<1x16xf32>
      tpu.vector_store %arg9[%swap3A_376, %swap3A_377], %swap3A_380 {strides = array<i32>} : memref<128x128xf32, #tpu.memory_space<vmem>>, vector<1x16xf32>,
      %add3A_381 = arith.constant 16 : i32
      %add3A_382 = arith.addi %mul3A_353, %add3A_381 : i32
      %add3A_383 = arith.constant 16 : i32
      %add3A_384 = arith.addi %shift_left3A_349, %add3A_383 : i32
      %get3A_385 = arith.index_cast %scan3A_335 : i32 to index
      %get3A_386 = arith.index_cast %add3A_384 : i32 to index
      %get3A_387 = tpu.vector_load %arg11[%get3A_385, %get3A_386] {strides = array<i32>} : memref<128x128xf32, #tpu.memory_space<vmem>>, vector<1x16xf32>,
      %get3A_388 = vector.shape_cast %get3A_387 : vector<1x16xf32> to vector<16xf32>
      %get3A_389 = arith.index_cast %add3A_339 : i32 to index
      %get3A_390 = arith.index_cast %add3A_382 : i32 to index
      %get3A_391 = tpu.vector_load %arg9[%get3A_389, %get3A_390] {strides = array<i32>} : memref<128x128xf32, #tpu.memory_space<vmem>>, vector<1x16xf32>,
      %get3A_392 = vector.shape_cast %get3A_391 : vector<1x16xf32> to vector<16xf32>
      %mul3A_393 = arith.constant 5.000000e-01 : f32
      %mul3A_394 = vector.broadcast %mul3A_393 : f32 to vector<16xf32>
      %mul3A_395 = arith.mulf %mul3A_394, %get3A_388 : vector<16xf32>
      %exp3A_396 = math.exp %mul3A_395 : vector<16xf32>
      %mul3A_397 = arith.mulf %get3A_392, %exp3A_396 : vector<16xf32>
      %get3A_398 = arith.index_cast %scan3A_335 : i32 to index
      %get3A_399 = arith.index_cast %add3A_384 : i32 to index
      %get3A_400 = tpu.vector_load %arg10[%get3A_398, %get3A_399] {strides = array<i32>} : memref<128x128xf32, #tpu.memory_space<vmem>>, vector<1x16xf32>,
      %get3A_401 = vector.shape_cast %get3A_400 : vector<1x16xf32> to vector<16xf32>
      %add3A_402 = arith.addf %mul3A_397, %get3A_401 : vector<16xf32>
      %swap3A_403 = arith.index_cast %add3A_339 : i32 to index
      %swap3A_404 = arith.index_cast %add3A_382 : i32 to index
      %swap3A_405 = tpu.vector_load %arg9[%swap3A_403, %swap3A_404] {strides = array<i32>} : memref<128x128xf32, #tpu.memory_space<vmem>>, vector<1x16xf32>,
      %swap3A_406 = vector.shape_cast %swap3A_405 : vector<1x16xf32> to vector<16xf32>
      %swap3A_407 = vector.shape_cast %add3A_402 : vector<16xf32> to vector<1x16xf32>
      tpu.vector_store %arg9[%swap3A_403, %swap3A_404], %swap3A_407 {strides = array<i32>} : memref<128x128xf32, #tpu.memory_space<vmem>>, vector<1x16xf32>,
      %scan3A_408 = arith.constant 0 : i32
      scf.yield %scan3A_408 : i32
    }
    %scan3A_35 = arith.constant 128 : i32
    %dma_start3A_36 = arith.constant 128 : i32
    %dma_start3A_37 = tpu.memref_slice %arg8[%dma_start3A_36] : memref<512xi32, #tpu.memory_space<vmem>> -> memref<128xi32, #tpu.memory_space<vmem>>
    %dma_start3A_38 = arith.constant 0 : i32
    %dma_start3A_39 = arith.constant 0 : i32
    %dma_start3A_40 = tpu.memref_slice %arg3[%dma_start3A_38, %dma_start3A_39] : memref<250000x128xf32, #tpu.memory_space<hbm>> -> memref<250000x128xf32, #tpu.memory_space<hbm>>
    tpu.enqueue_indirect_dma source(%dma_start3A_40 : memref<250000x128xf32, #tpu.memory_space<hbm>>) target(%arg10 : memref<128x128xf32, #tpu.memory_space<vmem>>) offsets(%dma_start3A_37 : memref<128xi32, #tpu.memory_space<vmem>>) semaphore(%arg12 : memref<!tpu.dma_semaphore, #tpu.memory_space<semaphore_mem>>)
    %dma_start3A_41 = arith.constant 128 : i32
    %dma_start3A_42 = tpu.memref_slice %arg8[%dma_start3A_41] : memref<512xi32, #tpu.memory_space<vmem>> -> memref<128xi32, #tpu.memory_space<vmem>>
    %dma_start3A_43 = arith.constant 0 : i32
    %dma_start3A_44 = arith.constant 0 : i32
    %dma_start3A_45 = tpu.memref_slice %arg4[%dma_start3A_43, %dma_start3A_44] : memref<250000x128xf32, #tpu.memory_space<hbm>> -> memref<250000x128xf32, #tpu.memory_space<hbm>>
    tpu.enqueue_indirect_dma source(%dma_start3A_45 : memref<250000x128xf32, #tpu.memory_space<hbm>>) target(%arg11 : memref<128x128xf32, #tpu.memory_space<vmem>>) offsets(%dma_start3A_42 : memref<128xi32, #tpu.memory_space<vmem>>) semaphore(%arg12 : memref<!tpu.dma_semaphore, #tpu.memory_space<semaphore_mem>>)
    %dma_wait3A_46 = arith.constant 128 : i32
    %dma_wait3A_47 = tpu.memref_slice %arg8[%dma_wait3A_46] : memref<512xi32, #tpu.memory_space<vmem>> -> memref<128xi32, #tpu.memory_space<vmem>>
    %dma_wait3A_48 = arith.constant 0 : i32
    %dma_wait3A_49 = arith.constant 0 : i32
    %dma_wait3A_50 = tpu.memref_slice %arg3[%dma_wait3A_48, %dma_wait3A_49] : memref<250000x128xf32, #tpu.memory_space<hbm>> -> memref<250000x128xf32, #tpu.memory_space<hbm>>
    tpu.wait_indirect_dma semaphore(%arg12 : memref<!tpu.dma_semaphore, #tpu.memory_space<semaphore_mem>>) src(%dma_wait3A_50 : memref<250000x128xf32, #tpu.memory_space<hbm>>) dst(%arg10 : memref<128x128xf32, #tpu.memory_space<vmem>>)
    %dma_wait3A_51 = arith.constant 128 : i32
    %dma_wait3A_52 = tpu.memref_slice %arg8[%dma_wait3A_51] : memref<512xi32, #tpu.memory_space<vmem>> -> memref<128xi32, #tpu.memory_space<vmem>>
    %dma_wait3A_53 = arith.constant 0 : i32
    %dma_wait3A_54 = arith.constant 0 : i32
    %dma_wait3A_55 = tpu.memref_slice %arg4[%dma_wait3A_53, %dma_wait3A_54] : memref<250000x128xf32, #tpu.memory_space<hbm>> -> memref<250000x128xf32, #tpu.memory_space<hbm>>
    tpu.wait_indirect_dma semaphore(%arg12 : memref<!tpu.dma_semaphore, #tpu.memory_space<semaphore_mem>>) src(%dma_wait3A_55 : memref<250000x128xf32, #tpu.memory_space<hbm>>) dst(%arg11 : memref<128x128xf32, #tpu.memory_space<vmem>>)
    %scan3A_56 = arith.constant 0 : i32
    %scan3A_57 = arith.constant 0 : i32
    %scan3A_58 = arith.constant 128 : i32
    %scan3A_59 = arith.addi %scan3A_57, %scan3A_58 : i32
    %scan3A_60 = arith.constant 4 : i32
    %scan3A_61 = scf.for %scan3A_117 = %scan3A_57 to %scan3A_59 step %scan3A_60 iter_args(%scan3A_118 = %scan3A_56) -> (i32)  : i32 {
      %div3A = arith.constant 4 : i32
      %div3A_119 = arith.divsi %scan3A_117, %div3A : i32
      %add3A_120 = arith.constant 32 : i32
      %add3A_121 = arith.addi %add3A_120, %div3A_119 : i32
      %add3A_122 = arith.constant 128 : i32
      %add3A_123 = arith.addi %add3A_122, %scan3A_117 : i32
      %get3A = arith.index_cast %add3A_123 : i32 to index
      %get3A_124 = tpu.vector_load %arg7[%get3A] {strides = array<i32>} : memref<512xi32, #tpu.memory_space<vmem>>, vector<1xi32>,
      %get3A_125 = vector.shape_cast %get3A_124 : vector<1xi32> to vector<1xi32>
      %squeeze3A = vector.extract %get3A_125[0] : i32 from vector<1xi32>
      %and3A = arith.constant 3 : i32
      %and3A_126 = arith.andi %squeeze3A, %and3A : i32
      %shift_left3A = arith.constant 5 : i32
      %shift_left3A_127 = arith.shli %and3A_126, %shift_left3A : i32
      %rem3A = arith.constant 4 : i32
      %rem3A_128 = arith.remsi %scan3A_117, %rem3A : i32
      %mul3A_129 = arith.constant 32 : i32
      %mul3A_130 = arith.muli %rem3A_128, %mul3A_129 : i32
      %add3A_131 = arith.constant 0 : i32
      %add3A_132 = arith.addi %mul3A_130, %add3A_131 : i32
      %add3A_133 = arith.constant 0 : i32
      %add3A_134 = arith.addi %shift_left3A_127, %add3A_133 : i32
      %get3A_135 = arith.index_cast %scan3A_117 : i32 to index
      %get3A_136 = arith.index_cast %add3A_134 : i32 to index
      %get3A_137 = tpu.vector_load %arg11[%get3A_135, %get3A_136] {strides = array<i32>} : memref<128x128xf32, #tpu.memory_space<vmem>>, vector<1x16xf32>,
      %get3A_138 = vector.shape_cast %get3A_137 : vector<1x16xf32> to vector<16xf32>
      %get3A_139 = arith.index_cast %add3A_121 : i32 to index
      %get3A_140 = arith.index_cast %add3A_132 : i32 to index
      %get3A_141 = tpu.vector_load %arg9[%get3A_139, %get3A_140] {strides = array<i32>} : memref<128x128xf32, #tpu.memory_space<vmem>>, vector<1x16xf32>,
      %get3A_142 = vector.shape_cast %get3A_141 : vector<1x16xf32> to vector<16xf32>
      %mul3A_143 = arith.constant 5.000000e-01 : f32
      %mul3A_144 = vector.broadcast %mul3A_143 : f32 to vector<16xf32>
      %mul3A_145 = arith.mulf %mul3A_144, %get3A_138 : vector<16xf32>
      %exp3A = math.exp %mul3A_145 : vector<16xf32>
      %mul3A_146 = arith.mulf %get3A_142, %exp3A : vector<16xf32>
      %get3A_147 = arith.index_cast %scan3A_117 : i32 to index
      %get3A_148 = arith.index_cast %add3A_134 : i32 to index
      %get3A_149 = tpu.vector_load %arg10[%get3A_147, %get3A_148] {strides = array<i32>} : memref<128x128xf32, #tpu.memory_space<vmem>>, vector<1x16xf32>,
      %get3A_150 = vector.shape_cast %get3A_149 : vector<1x16xf32> to vector<16xf32>
      %add3A_151 = arith.addf %mul3A_146, %get3A_150 : vector<16xf32>
      %swap3A = arith.index_cast %add3A_121 : i32 to index
      %swap3A_152 = arith.index_cast %add3A_132 : i32 to index
      %swap3A_153 = tpu.vector_load %arg9[%swap3A, %swap3A_152] {strides = array<i32>} : memref<128x128xf32, #tpu.memory_space<vmem>>, vector<1x16xf32>,
      %swap3A_154 = vector.shape_cast %swap3A_153 : vector<1x16xf32> to vector<16xf32>
      %swap3A_155 = vector.shape_cast %add3A_151 : vector<16xf32> to vector<1x16xf32>
      tpu.vector_store %arg9[%swap3A, %swap3A_152], %swap3A_155 {strides = array<i32>} : memref<128x128xf32, #tpu.memory_space<vmem>>, vector<1x16xf32>,
      %add3A_156 = arith.constant 16 : i32
      %add3A_157 = arith.addi %mul3A_130, %add3A_156 : i32
      %add3A_158 = arith.constant 16 : i32
      %add3A_159 = arith.addi %shift_left3A_127, %add3A_158 : i32
      %get3A_160 = arith.index_cast %scan3A_117 : i32 to index
      %get3A_161 = arith.index_cast %add3A_159 : i32 to index
      %get3A_162 = tpu.vector_load %arg11[%get3A_160, %get3A_161] {strides = array<i32>} : memref<128x128xf32, #tpu.memory_space<vmem>>, vector<1x16xf32>,
      %get3A_163 = vector.shape_cast %get3A_162 : vector<1x16xf32> to vector<16xf32>
      %get3A_164 = arith.index_cast %add3A_121 : i32 to index
      %get3A_165 = arith.index_cast %add3A_157 : i32 to index
      %get3A_166 = tpu.vector_load %arg9[%get3A_164, %get3A_165] {strides = array<i32>} : memref<128x128xf32, #tpu.memory_space<vmem>>, vector<1x16xf32>,
      %get3A_167 = vector.shape_cast %get3A_166 : vector<1x16xf32> to vector<16xf32>
      %mul3A_168 = arith.constant 5.000000e-01 : f32
      %mul3A_169 = vector.broadcast %mul3A_168 : f32 to vector<16xf32>
      %mul3A_170 = arith.mulf %mul3A_169, %get3A_163 : vector<16xf32>
      %exp3A_171 = math.exp %mul3A_170 : vector<16xf32>
      %mul3A_172 = arith.mulf %get3A_167, %exp3A_171 : vector<16xf32>
      %get3A_173 = arith.index_cast %scan3A_117 : i32 to index
      %get3A_174 = arith.index_cast %add3A_159 : i32 to index
      %get3A_175 = tpu.vector_load %arg10[%get3A_173, %get3A_174] {strides = array<i32>} : memref<128x128xf32, #tpu.memory_space<vmem>>, vector<1x16xf32>,
      %get3A_176 = vector.shape_cast %get3A_175 : vector<1x16xf32> to vector<16xf32>
      %add3A_177 = arith.addf %mul3A_172, %get3A_176 : vector<16xf32>
      %swap3A_178 = arith.index_cast %add3A_121 : i32 to index
      %swap3A_179 = arith.index_cast %add3A_157 : i32 to index
      %swap3A_180 = tpu.vector_load %arg9[%swap3A_178, %swap3A_179] {strides = array<i32>} : memref<128x128xf32, #tpu.memory_space<vmem>>, vector<1x16xf32>,
      %swap3A_181 = vector.shape_cast %swap3A_180 : vector<1x16xf32> to vector<16xf32>
      %swap3A_182 = vector.shape_cast %add3A_177 : vector<16xf32> to vector<1x16xf32>
      tpu.vector_store %arg9[%swap3A_178, %swap3A_179], %swap3A_182 {strides = array<i32>} : memref<128x128xf32, #tpu.memory_space<vmem>>, vector<1x16xf32>,
      %scan3A_183 = arith.constant 0 : i32
      %scan3A_184 = arith.constant 1 : i32
      %scan3A_185 = arith.addi %scan3A_117, %scan3A_184 : i32
      %div3A_186 = arith.constant 4 : i32
      %div3A_187 = arith.divsi %scan3A_185, %div3A_186 : i32
      %add3A_188 = arith.constant 32 : i32
      %add3A_189 = arith.addi %add3A_188, %div3A_187 : i32
      %add3A_190 = arith.constant 128 : i32
      %add3A_191 = arith.addi %add3A_190, %scan3A_185 : i32
      %get3A_192 = arith.index_cast %add3A_191 : i32 to index
      %get3A_193 = tpu.vector_load %arg7[%get3A_192] {strides = array<i32>} : memref<512xi32, #tpu.memory_space<vmem>>, vector<1xi32>,
      %get3A_194 = vector.shape_cast %get3A_193 : vector<1xi32> to vector<1xi32>
      %squeeze3A_195 = vector.extract %get3A_194[0] : i32 from vector<1xi32>
      %and3A_196 = arith.constant 3 : i32
      %and3A_197 = arith.andi %squeeze3A_195, %and3A_196 : i32
      %shift_left3A_198 = arith.constant 5 : i32
      %shift_left3A_199 = arith.shli %and3A_197, %shift_left3A_198 : i32
      %rem3A_200 = arith.constant 4 : i32
      %rem3A_201 = arith.remsi %scan3A_185, %rem3A_200 : i32
      %mul3A_202 = arith.constant 32 : i32
      %mul3A_203 = arith.muli %rem3A_201, %mul3A_202 : i32
      %add3A_204 = arith.constant 0 : i32
      %add3A_205 = arith.addi %mul3A_203, %add3A_204 : i32
      %add3A_206 = arith.constant 0 : i32
      %add3A_207 = arith.addi %shift_left3A_199, %add3A_206 : i32
      %get3A_208 = arith.index_cast %scan3A_185 : i32 to index
      %get3A_209 = arith.index_cast %add3A_207 : i32 to index
      %get3A_210 = tpu.vector_load %arg11[%get3A_208, %get3A_209] {strides = array<i32>} : memref<128x128xf32, #tpu.memory_space<vmem>>, vector<1x16xf32>,
      %get3A_211 = vector.shape_cast %get3A_210 : vector<1x16xf32> to vector<16xf32>
      %get3A_212 = arith.index_cast %add3A_189 : i32 to index
      %get3A_213 = arith.index_cast %add3A_205 : i32 to index
      %get3A_214 = tpu.vector_load %arg9[%get3A_212, %get3A_213] {strides = array<i32>} : memref<128x128xf32, #tpu.memory_space<vmem>>, vector<1x16xf32>,
      %get3A_215 = vector.shape_cast %get3A_214 : vector<1x16xf32> to vector<16xf32>
      %mul3A_216 = arith.constant 5.000000e-01 : f32
      %mul3A_217 = vector.broadcast %mul3A_216 : f32 to vector<16xf32>
      %mul3A_218 = arith.mulf %mul3A_217, %get3A_211 : vector<16xf32>
      %exp3A_219 = math.exp %mul3A_218 : vector<16xf32>
      %mul3A_220 = arith.mulf %get3A_215, %exp3A_219 : vector<16xf32>
      %get3A_221 = arith.index_cast %scan3A_185 : i32 to index
      %get3A_222 = arith.index_cast %add3A_207 : i32 to index
      %get3A_223 = tpu.vector_load %arg10[%get3A_221, %get3A_222] {strides = array<i32>} : memref<128x128xf32, #tpu.memory_space<vmem>>, vector<1x16xf32>,
      %get3A_224 = vector.shape_cast %get3A_223 : vector<1x16xf32> to vector<16xf32>
      %add3A_225 = arith.addf %mul3A_220, %get3A_224 : vector<16xf32>
      %swap3A_226 = arith.index_cast %add3A_189 : i32 to index
      %swap3A_227 = arith.index_cast %add3A_205 : i32 to index
      %swap3A_228 = tpu.vector_load %arg9[%swap3A_226, %swap3A_227] {strides = array<i32>} : memref<128x128xf32, #tpu.memory_space<vmem>>, vector<1x16xf32>,
      %swap3A_229 = vector.shape_cast %swap3A_228 : vector<1x16xf32> to vector<16xf32>
      %swap3A_230 = vector.shape_cast %add3A_225 : vector<16xf32> to vector<1x16xf32>
      tpu.vector_store %arg9[%swap3A_226, %swap3A_227], %swap3A_230 {strides = array<i32>} : memref<128x128xf32, #tpu.memory_space<vmem>>, vector<1x16xf32>,
      %add3A_231 = arith.constant 16 : i32
      %add3A_232 = arith.addi %mul3A_203, %add3A_231 : i32
      %add3A_233 = arith.constant 16 : i32
      %add3A_234 = arith.addi %shift_left3A_199, %add3A_233 : i32
      %get3A_235 = arith.index_cast %scan3A_185 : i32 to index
      %get3A_236 = arith.index_cast %add3A_234 : i32 to index
      %get3A_237 = tpu.vector_load %arg11[%get3A_235, %get3A_236] {strides = array<i32>} : memref<128x128xf32, #tpu.memory_space<vmem>>, vector<1x16xf32>,
      %get3A_238 = vector.shape_cast %get3A_237 : vector<1x16xf32> to vector<16xf32>
      %get3A_239 = arith.index_cast %add3A_189 : i32 to index
      %get3A_240 = arith.index_cast %add3A_232 : i32 to index
      %get3A_241 = tpu.vector_load %arg9[%get3A_239, %get3A_240] {strides = array<i32>} : memref<128x128xf32, #tpu.memory_space<vmem>>, vector<1x16xf32>,
      %get3A_242 = vector.shape_cast %get3A_241 : vector<1x16xf32> to vector<16xf32>
      %mul3A_243 = arith.constant 5.000000e-01 : f32
      %mul3A_244 = vector.broadcast %mul3A_243 : f32 to vector<16xf32>
      %mul3A_245 = arith.mulf %mul3A_244, %get3A_238 : vector<16xf32>
      %exp3A_246 = math.exp %mul3A_245 : vector<16xf32>
      %mul3A_247 = arith.mulf %get3A_242, %exp3A_246 : vector<16xf32>
      %get3A_248 = arith.index_cast %scan3A_185 : i32 to index
      %get3A_249 = arith.index_cast %add3A_234 : i32 to index
      %get3A_250 = tpu.vector_load %arg10[%get3A_248, %get3A_249] {strides = array<i32>} : memref<128x128xf32, #tpu.memory_space<vmem>>, vector<1x16xf32>,
      %get3A_251 = vector.shape_cast %get3A_250 : vector<1x16xf32> to vector<16xf32>
      %add3A_252 = arith.addf %mul3A_247, %get3A_251 : vector<16xf32>
      %swap3A_253 = arith.index_cast %add3A_189 : i32 to index
      %swap3A_254 = arith.index_cast %add3A_232 : i32 to index
      %swap3A_255 = tpu.vector_load %arg9[%swap3A_253, %swap3A_254] {strides = array<i32>} : memref<128x128xf32, #tpu.memory_space<vmem>>, vector<1x16xf32>,
      %swap3A_256 = vector.shape_cast %swap3A_255 : vector<1x16xf32> to vector<16xf32>
      %swap3A_257 = vector.shape_cast %add3A_252 : vector<16xf32> to vector<1x16xf32>
      tpu.vector_store %arg9[%swap3A_253, %swap3A_254], %swap3A_257 {strides = array<i32>} : memref<128x128xf32, #tpu.memory_space<vmem>>, vector<1x16xf32>,
      %scan3A_258 = arith.constant 0 : i32
      %scan3A_259 = arith.constant 2 : i32
      %scan3A_260 = arith.addi %scan3A_117, %scan3A_259 : i32
      %div3A_261 = arith.constant 4 : i32
      %div3A_262 = arith.divsi %scan3A_260, %div3A_261 : i32
      %add3A_263 = arith.constant 32 : i32
      %add3A_264 = arith.addi %add3A_263, %div3A_262 : i32
      %add3A_265 = arith.constant 128 : i32
      %add3A_266 = arith.addi %add3A_265, %scan3A_260 : i32
      %get3A_267 = arith.index_cast %add3A_266 : i32 to index
      %get3A_268 = tpu.vector_load %arg7[%get3A_267] {strides = array<i32>} : memref<512xi32, #tpu.memory_space<vmem>>, vector<1xi32>,
      %get3A_269 = vector.shape_cast %get3A_268 : vector<1xi32> to vector<1xi32>
      %squeeze3A_270 = vector.extract %get3A_269[0] : i32 from vector<1xi32>
      %and3A_271 = arith.constant 3 : i32
      %and3A_272 = arith.andi %squeeze3A_270, %and3A_271 : i32
      %shift_left3A_273 = arith.constant 5 : i32
      %shift_left3A_274 = arith.shli %and3A_272, %shift_left3A_273 : i32
      %rem3A_275 = arith.constant 4 : i32
      %rem3A_276 = arith.remsi %scan3A_260, %rem3A_275 : i32
      %mul3A_277 = arith.constant 32 : i32
      %mul3A_278 = arith.muli %rem3A_276, %mul3A_277 : i32
      %add3A_279 = arith.constant 0 : i32
      %add3A_280 = arith.addi %mul3A_278, %add3A_279 : i32
      %add3A_281 = arith.constant 0 : i32
      %add3A_282 = arith.addi %shift_left3A_274, %add3A_281 : i32
      %get3A_283 = arith.index_cast %scan3A_260 : i32 to index
      %get3A_284 = arith.index_cast %add3A_282 : i32 to index
      %get3A_285 = tpu.vector_load %arg11[%get3A_283, %get3A_284] {strides = array<i32>} : memref<128x128xf32, #tpu.memory_space<vmem>>, vector<1x16xf32>,
      %get3A_286 = vector.shape_cast %get3A_285 : vector<1x16xf32> to vector<16xf32>
      %get3A_287 = arith.index_cast %add3A_264 : i32 to index
      %get3A_288 = arith.index_cast %add3A_280 : i32 to index
      %get3A_289 = tpu.vector_load %arg9[%get3A_287, %get3A_288] {strides = array<i32>} : memref<128x128xf32, #tpu.memory_space<vmem>>, vector<1x16xf32>,
      %get3A_290 = vector.shape_cast %get3A_289 : vector<1x16xf32> to vector<16xf32>
      %mul3A_291 = arith.constant 5.000000e-01 : f32
      %mul3A_292 = vector.broadcast %mul3A_291 : f32 to vector<16xf32>
      %mul3A_293 = arith.mulf %mul3A_292, %get3A_286 : vector<16xf32>
      %exp3A_294 = math.exp %mul3A_293 : vector<16xf32>
      %mul3A_295 = arith.mulf %get3A_290, %exp3A_294 : vector<16xf32>
      %get3A_296 = arith.index_cast %scan3A_260 : i32 to index
      %get3A_297 = arith.index_cast %add3A_282 : i32 to index
      %get3A_298 = tpu.vector_load %arg10[%get3A_296, %get3A_297] {strides = array<i32>} : memref<128x128xf32, #tpu.memory_space<vmem>>, vector<1x16xf32>,
      %get3A_299 = vector.shape_cast %get3A_298 : vector<1x16xf32> to vector<16xf32>
      %add3A_300 = arith.addf %mul3A_295, %get3A_299 : vector<16xf32>
      %swap3A_301 = arith.index_cast %add3A_264 : i32 to index
      %swap3A_302 = arith.index_cast %add3A_280 : i32 to index
      %swap3A_303 = tpu.vector_load %arg9[%swap3A_301, %swap3A_302] {strides = array<i32>} : memref<128x128xf32, #tpu.memory_space<vmem>>, vector<1x16xf32>,
      %swap3A_304 = vector.shape_cast %swap3A_303 : vector<1x16xf32> to vector<16xf32>
      %swap3A_305 = vector.shape_cast %add3A_300 : vector<16xf32> to vector<1x16xf32>
      tpu.vector_store %arg9[%swap3A_301, %swap3A_302], %swap3A_305 {strides = array<i32>} : memref<128x128xf32, #tpu.memory_space<vmem>>, vector<1x16xf32>,
      %add3A_306 = arith.constant 16 : i32
      %add3A_307 = arith.addi %mul3A_278, %add3A_306 : i32
      %add3A_308 = arith.constant 16 : i32
      %add3A_309 = arith.addi %shift_left3A_274, %add3A_308 : i32
      %get3A_310 = arith.index_cast %scan3A_260 : i32 to index
      %get3A_311 = arith.index_cast %add3A_309 : i32 to index
      %get3A_312 = tpu.vector_load %arg11[%get3A_310, %get3A_311] {strides = array<i32>} : memref<128x128xf32, #tpu.memory_space<vmem>>, vector<1x16xf32>,
      %get3A_313 = vector.shape_cast %get3A_312 : vector<1x16xf32> to vector<16xf32>
      %get3A_314 = arith.index_cast %add3A_264 : i32 to index
      %get3A_315 = arith.index_cast %add3A_307 : i32 to index
      %get3A_316 = tpu.vector_load %arg9[%get3A_314, %get3A_315] {strides = array<i32>} : memref<128x128xf32, #tpu.memory_space<vmem>>, vector<1x16xf32>,
      %get3A_317 = vector.shape_cast %get3A_316 : vector<1x16xf32> to vector<16xf32>
      %mul3A_318 = arith.constant 5.000000e-01 : f32
      %mul3A_319 = vector.broadcast %mul3A_318 : f32 to vector<16xf32>
      %mul3A_320 = arith.mulf %mul3A_319, %get3A_313 : vector<16xf32>
      %exp3A_321 = math.exp %mul3A_320 : vector<16xf32>
      %mul3A_322 = arith.mulf %get3A_317, %exp3A_321 : vector<16xf32>
      %get3A_323 = arith.index_cast %scan3A_260 : i32 to index
      %get3A_324 = arith.index_cast %add3A_309 : i32 to index
      %get3A_325 = tpu.vector_load %arg10[%get3A_323, %get3A_324] {strides = array<i32>} : memref<128x128xf32, #tpu.memory_space<vmem>>, vector<1x16xf32>,
      %get3A_326 = vector.shape_cast %get3A_325 : vector<1x16xf32> to vector<16xf32>
      %add3A_327 = arith.addf %mul3A_322, %get3A_326 : vector<16xf32>
      %swap3A_328 = arith.index_cast %add3A_264 : i32 to index
      %swap3A_329 = arith.index_cast %add3A_307 : i32 to index
      %swap3A_330 = tpu.vector_load %arg9[%swap3A_328, %swap3A_329] {strides = array<i32>} : memref<128x128xf32, #tpu.memory_space<vmem>>, vector<1x16xf32>,
      %swap3A_331 = vector.shape_cast %swap3A_330 : vector<1x16xf32> to vector<16xf32>
      %swap3A_332 = vector.shape_cast %add3A_327 : vector<16xf32> to vector<1x16xf32>
      tpu.vector_store %arg9[%swap3A_328, %swap3A_329], %swap3A_332 {strides = array<i32>} : memref<128x128xf32, #tpu.memory_space<vmem>>, vector<1x16xf32>,
      %scan3A_333 = arith.constant 0 : i32
      %scan3A_334 = arith.constant 3 : i32
      %scan3A_335 = arith.addi %scan3A_117, %scan3A_334 : i32
      %div3A_336 = arith.constant 4 : i32
      %div3A_337 = arith.divsi %scan3A_335, %div3A_336 : i32
      %add3A_338 = arith.constant 32 : i32
      %add3A_339 = arith.addi %add3A_338, %div3A_337 : i32
      %add3A_340 = arith.constant 128 : i32
      %add3A_341 = arith.addi %add3A_340, %scan3A_335 : i32
      %get3A_342 = arith.index_cast %add3A_341 : i32 to index
      %get3A_343 = tpu.vector_load %arg7[%get3A_342] {strides = array<i32>} : memref<512xi32, #tpu.memory_space<vmem>>, vector<1xi32>,
      %get3A_344 = vector.shape_cast %get3A_343 : vector<1xi32> to vector<1xi32>
      %squeeze3A_345 = vector.extract %get3A_344[0] : i32 from vector<1xi32>
      %and3A_346 = arith.constant 3 : i32
      %and3A_347 = arith.andi %squeeze3A_345, %and3A_346 : i32
      %shift_left3A_348 = arith.constant 5 : i32
      %shift_left3A_349 = arith.shli %and3A_347, %shift_left3A_348 : i32
      %rem3A_350 = arith.constant 4 : i32
      %rem3A_351 = arith.remsi %scan3A_335, %rem3A_350 : i32
      %mul3A_352 = arith.constant 32 : i32
      %mul3A_353 = arith.muli %rem3A_351, %mul3A_352 : i32
      %add3A_354 = arith.constant 0 : i32
      %add3A_355 = arith.addi %mul3A_353, %add3A_354 : i32
      %add3A_356 = arith.constant 0 : i32
      %add3A_357 = arith.addi %shift_left3A_349, %add3A_356 : i32
      %get3A_358 = arith.index_cast %scan3A_335 : i32 to index
      %get3A_359 = arith.index_cast %add3A_357 : i32 to index
      %get3A_360 = tpu.vector_load %arg11[%get3A_358, %get3A_359] {strides = array<i32>} : memref<128x128xf32, #tpu.memory_space<vmem>>, vector<1x16xf32>,
      %get3A_361 = vector.shape_cast %get3A_360 : vector<1x16xf32> to vector<16xf32>
      %get3A_362 = arith.index_cast %add3A_339 : i32 to index
      %get3A_363 = arith.index_cast %add3A_355 : i32 to index
      %get3A_364 = tpu.vector_load %arg9[%get3A_362, %get3A_363] {strides = array<i32>} : memref<128x128xf32, #tpu.memory_space<vmem>>, vector<1x16xf32>,
      %get3A_365 = vector.shape_cast %get3A_364 : vector<1x16xf32> to vector<16xf32>
      %mul3A_366 = arith.constant 5.000000e-01 : f32
      %mul3A_367 = vector.broadcast %mul3A_366 : f32 to vector<16xf32>
      %mul3A_368 = arith.mulf %mul3A_367, %get3A_361 : vector<16xf32>
      %exp3A_369 = math.exp %mul3A_368 : vector<16xf32>
      %mul3A_370 = arith.mulf %get3A_365, %exp3A_369 : vector<16xf32>
      %get3A_371 = arith.index_cast %scan3A_335 : i32 to index
      %get3A_372 = arith.index_cast %add3A_357 : i32 to index
      %get3A_373 = tpu.vector_load %arg10[%get3A_371, %get3A_372] {strides = array<i32>} : memref<128x128xf32, #tpu.memory_space<vmem>>, vector<1x16xf32>,
      %get3A_374 = vector.shape_cast %get3A_373 : vector<1x16xf32> to vector<16xf32>
      %add3A_375 = arith.addf %mul3A_370, %get3A_374 : vector<16xf32>
      %swap3A_376 = arith.index_cast %add3A_339 : i32 to index
      %swap3A_377 = arith.index_cast %add3A_355 : i32 to index
      %swap3A_378 = tpu.vector_load %arg9[%swap3A_376, %swap3A_377] {strides = array<i32>} : memref<128x128xf32, #tpu.memory_space<vmem>>, vector<1x16xf32>,
      %swap3A_379 = vector.shape_cast %swap3A_378 : vector<1x16xf32> to vector<16xf32>
      %swap3A_380 = vector.shape_cast %add3A_375 : vector<16xf32> to vector<1x16xf32>
      tpu.vector_store %arg9[%swap3A_376, %swap3A_377], %swap3A_380 {strides = array<i32>} : memref<128x128xf32, #tpu.memory_space<vmem>>, vector<1x16xf32>,
      %add3A_381 = arith.constant 16 : i32
      %add3A_382 = arith.addi %mul3A_353, %add3A_381 : i32
      %add3A_383 = arith.constant 16 : i32
      %add3A_384 = arith.addi %shift_left3A_349, %add3A_383 : i32
      %get3A_385 = arith.index_cast %scan3A_335 : i32 to index
      %get3A_386 = arith.index_cast %add3A_384 : i32 to index
      %get3A_387 = tpu.vector_load %arg11[%get3A_385, %get3A_386] {strides = array<i32>} : memref<128x128xf32, #tpu.memory_space<vmem>>, vector<1x16xf32>,
      %get3A_388 = vector.shape_cast %get3A_387 : vector<1x16xf32> to vector<16xf32>
      %get3A_389 = arith.index_cast %add3A_339 : i32 to index
      %get3A_390 = arith.index_cast %add3A_382 : i32 to index
      %get3A_391 = tpu.vector_load %arg9[%get3A_389, %get3A_390] {strides = array<i32>} : memref<128x128xf32, #tpu.memory_space<vmem>>, vector<1x16xf32>,
      %get3A_392 = vector.shape_cast %get3A_391 : vector<1x16xf32> to vector<16xf32>
      %mul3A_393 = arith.constant 5.000000e-01 : f32
      %mul3A_394 = vector.broadcast %mul3A_393 : f32 to vector<16xf32>
      %mul3A_395 = arith.mulf %mul3A_394, %get3A_388 : vector<16xf32>
      %exp3A_396 = math.exp %mul3A_395 : vector<16xf32>
      %mul3A_397 = arith.mulf %get3A_392, %exp3A_396 : vector<16xf32>
      %get3A_398 = arith.index_cast %scan3A_335 : i32 to index
      %get3A_399 = arith.index_cast %add3A_384 : i32 to index
      %get3A_400 = tpu.vector_load %arg10[%get3A_398, %get3A_399] {strides = array<i32>} : memref<128x128xf32, #tpu.memory_space<vmem>>, vector<1x16xf32>,
      %get3A_401 = vector.shape_cast %get3A_400 : vector<1x16xf32> to vector<16xf32>
      %add3A_402 = arith.addf %mul3A_397, %get3A_401 : vector<16xf32>
      %swap3A_403 = arith.index_cast %add3A_339 : i32 to index
      %swap3A_404 = arith.index_cast %add3A_382 : i32 to index
      %swap3A_405 = tpu.vector_load %arg9[%swap3A_403, %swap3A_404] {strides = array<i32>} : memref<128x128xf32, #tpu.memory_space<vmem>>, vector<1x16xf32>,
      %swap3A_406 = vector.shape_cast %swap3A_405 : vector<1x16xf32> to vector<16xf32>
      %swap3A_407 = vector.shape_cast %add3A_402 : vector<16xf32> to vector<1x16xf32>
      tpu.vector_store %arg9[%swap3A_403, %swap3A_404], %swap3A_407 {strides = array<i32>} : memref<128x128xf32, #tpu.memory_space<vmem>>, vector<1x16xf32>,
      %scan3A_408 = arith.constant 0 : i32
      scf.yield %scan3A_408 : i32
    }
    %scan3A_62 = arith.constant 128 : i32
    %dma_start3A_63 = arith.constant 256 : i32
    %dma_start3A_64 = tpu.memref_slice %arg8[%dma_start3A_63] : memref<512xi32, #tpu.memory_space<vmem>> -> memref<128xi32, #tpu.memory_space<vmem>>
    %dma_start3A_65 = arith.constant 0 : i32
    %dma_start3A_66 = arith.constant 0 : i32
    %dma_start3A_67 = tpu.memref_slice %arg3[%dma_start3A_65, %dma_start3A_66] : memref<250000x128xf32, #tpu.memory_space<hbm>> -> memref<250000x128xf32, #tpu.memory_space<hbm>>
    tpu.enqueue_indirect_dma source(%dma_start3A_67 : memref<250000x128xf32, #tpu.memory_space<hbm>>) target(%arg10 : memref<128x128xf32, #tpu.memory_space<vmem>>) offsets(%dma_start3A_64 : memref<128xi32, #tpu.memory_space<vmem>>) semaphore(%arg12 : memref<!tpu.dma_semaphore, #tpu.memory_space<semaphore_mem>>)
    %dma_start3A_68 = arith.constant 256 : i32
    %dma_start3A_69 = tpu.memref_slice %arg8[%dma_start3A_68] : memref<512xi32, #tpu.memory_space<vmem>> -> memref<128xi32, #tpu.memory_space<vmem>>
    %dma_start3A_70 = arith.constant 0 : i32
    %dma_start3A_71 = arith.constant 0 : i32
    %dma_start3A_72 = tpu.memref_slice %arg4[%dma_start3A_70, %dma_start3A_71] : memref<250000x128xf32, #tpu.memory_space<hbm>> -> memref<250000x128xf32, #tpu.memory_space<hbm>>
    tpu.enqueue_indirect_dma source(%dma_start3A_72 : memref<250000x128xf32, #tpu.memory_space<hbm>>) target(%arg11 : memref<128x128xf32, #tpu.memory_space<vmem>>) offsets(%dma_start3A_69 : memref<128xi32, #tpu.memory_space<vmem>>) semaphore(%arg12 : memref<!tpu.dma_semaphore, #tpu.memory_space<semaphore_mem>>)
    %dma_wait3A_73 = arith.constant 256 : i32
    %dma_wait3A_74 = tpu.memref_slice %arg8[%dma_wait3A_73] : memref<512xi32, #tpu.memory_space<vmem>> -> memref<128xi32, #tpu.memory_space<vmem>>
    %dma_wait3A_75 = arith.constant 0 : i32
    %dma_wait3A_76 = arith.constant 0 : i32
    %dma_wait3A_77 = tpu.memref_slice %arg3[%dma_wait3A_75, %dma_wait3A_76] : memref<250000x128xf32, #tpu.memory_space<hbm>> -> memref<250000x128xf32, #tpu.memory_space<hbm>>
    tpu.wait_indirect_dma semaphore(%arg12 : memref<!tpu.dma_semaphore, #tpu.memory_space<semaphore_mem>>) src(%dma_wait3A_77 : memref<250000x128xf32, #tpu.memory_space<hbm>>) dst(%arg10 : memref<128x128xf32, #tpu.memory_space<vmem>>)
    %dma_wait3A_78 = arith.constant 256 : i32
    %dma_wait3A_79 = tpu.memref_slice %arg8[%dma_wait3A_78] : memref<512xi32, #tpu.memory_space<vmem>> -> memref<128xi32, #tpu.memory_space<vmem>>
    %dma_wait3A_80 = arith.constant 0 : i32
    %dma_wait3A_81 = arith.constant 0 : i32
    %dma_wait3A_82 = tpu.memref_slice %arg4[%dma_wait3A_80, %dma_wait3A_81] : memref<250000x128xf32, #tpu.memory_space<hbm>> -> memref<250000x128xf32, #tpu.memory_space<hbm>>
    tpu.wait_indirect_dma semaphore(%arg12 : memref<!tpu.dma_semaphore, #tpu.memory_space<semaphore_mem>>) src(%dma_wait3A_82 : memref<250000x128xf32, #tpu.memory_space<hbm>>) dst(%arg11 : memref<128x128xf32, #tpu.memory_space<vmem>>)
    %scan3A_83 = arith.constant 0 : i32
    %scan3A_84 = arith.constant 0 : i32
    %scan3A_85 = arith.constant 128 : i32
    %scan3A_86 = arith.addi %scan3A_84, %scan3A_85 : i32
    %scan3A_87 = arith.constant 4 : i32
    %scan3A_88 = scf.for %scan3A_117 = %scan3A_84 to %scan3A_86 step %scan3A_87 iter_args(%scan3A_118 = %scan3A_83) -> (i32)  : i32 {
      %div3A = arith.constant 4 : i32
      %div3A_119 = arith.divsi %scan3A_117, %div3A : i32
      %add3A_120 = arith.constant 64 : i32
      %add3A_121 = arith.addi %add3A_120, %div3A_119 : i32
      %add3A_122 = arith.constant 256 : i32
      %add3A_123 = arith.addi %add3A_122, %scan3A_117 : i32
      %get3A = arith.index_cast %add3A_123 : i32 to index
      %get3A_124 = tpu.vector_load %arg7[%get3A] {strides = array<i32>} : memref<512xi32, #tpu.memory_space<vmem>>, vector<1xi32>,
      %get3A_125 = vector.shape_cast %get3A_124 : vector<1xi32> to vector<1xi32>
      %squeeze3A = vector.extract %get3A_125[0] : i32 from vector<1xi32>
      %and3A = arith.constant 3 : i32
      %and3A_126 = arith.andi %squeeze3A, %and3A : i32
      %shift_left3A = arith.constant 5 : i32
      %shift_left3A_127 = arith.shli %and3A_126, %shift_left3A : i32
      %rem3A = arith.constant 4 : i32
      %rem3A_128 = arith.remsi %scan3A_117, %rem3A : i32
      %mul3A_129 = arith.constant 32 : i32
      %mul3A_130 = arith.muli %rem3A_128, %mul3A_129 : i32
      %add3A_131 = arith.constant 0 : i32
      %add3A_132 = arith.addi %mul3A_130, %add3A_131 : i32
      %add3A_133 = arith.constant 0 : i32
      %add3A_134 = arith.addi %shift_left3A_127, %add3A_133 : i32
      %get3A_135 = arith.index_cast %scan3A_117 : i32 to index
      %get3A_136 = arith.index_cast %add3A_134 : i32 to index
      %get3A_137 = tpu.vector_load %arg11[%get3A_135, %get3A_136] {strides = array<i32>} : memref<128x128xf32, #tpu.memory_space<vmem>>, vector<1x16xf32>,
      %get3A_138 = vector.shape_cast %get3A_137 : vector<1x16xf32> to vector<16xf32>
      %get3A_139 = arith.index_cast %add3A_121 : i32 to index
      %get3A_140 = arith.index_cast %add3A_132 : i32 to index
      %get3A_141 = tpu.vector_load %arg9[%get3A_139, %get3A_140] {strides = array<i32>} : memref<128x128xf32, #tpu.memory_space<vmem>>, vector<1x16xf32>,
      %get3A_142 = vector.shape_cast %get3A_141 : vector<1x16xf32> to vector<16xf32>
      %mul3A_143 = arith.constant 5.000000e-01 : f32
      %mul3A_144 = vector.broadcast %mul3A_143 : f32 to vector<16xf32>
      %mul3A_145 = arith.mulf %mul3A_144, %get3A_138 : vector<16xf32>
      %exp3A = math.exp %mul3A_145 : vector<16xf32>
      %mul3A_146 = arith.mulf %get3A_142, %exp3A : vector<16xf32>
      %get3A_147 = arith.index_cast %scan3A_117 : i32 to index
      %get3A_148 = arith.index_cast %add3A_134 : i32 to index
      %get3A_149 = tpu.vector_load %arg10[%get3A_147, %get3A_148] {strides = array<i32>} : memref<128x128xf32, #tpu.memory_space<vmem>>, vector<1x16xf32>,
      %get3A_150 = vector.shape_cast %get3A_149 : vector<1x16xf32> to vector<16xf32>
      %add3A_151 = arith.addf %mul3A_146, %get3A_150 : vector<16xf32>
      %swap3A = arith.index_cast %add3A_121 : i32 to index
      %swap3A_152 = arith.index_cast %add3A_132 : i32 to index
      %swap3A_153 = tpu.vector_load %arg9[%swap3A, %swap3A_152] {strides = array<i32>} : memref<128x128xf32, #tpu.memory_space<vmem>>, vector<1x16xf32>,
      %swap3A_154 = vector.shape_cast %swap3A_153 : vector<1x16xf32> to vector<16xf32>
      %swap3A_155 = vector.shape_cast %add3A_151 : vector<16xf32> to vector<1x16xf32>
      tpu.vector_store %arg9[%swap3A, %swap3A_152], %swap3A_155 {strides = array<i32>} : memref<128x128xf32, #tpu.memory_space<vmem>>, vector<1x16xf32>,
      %add3A_156 = arith.constant 16 : i32
      %add3A_157 = arith.addi %mul3A_130, %add3A_156 : i32
      %add3A_158 = arith.constant 16 : i32
      %add3A_159 = arith.addi %shift_left3A_127, %add3A_158 : i32
      %get3A_160 = arith.index_cast %scan3A_117 : i32 to index
      %get3A_161 = arith.index_cast %add3A_159 : i32 to index
      %get3A_162 = tpu.vector_load %arg11[%get3A_160, %get3A_161] {strides = array<i32>} : memref<128x128xf32, #tpu.memory_space<vmem>>, vector<1x16xf32>,
      %get3A_163 = vector.shape_cast %get3A_162 : vector<1x16xf32> to vector<16xf32>
      %get3A_164 = arith.index_cast %add3A_121 : i32 to index
      %get3A_165 = arith.index_cast %add3A_157 : i32 to index
      %get3A_166 = tpu.vector_load %arg9[%get3A_164, %get3A_165] {strides = array<i32>} : memref<128x128xf32, #tpu.memory_space<vmem>>, vector<1x16xf32>,
      %get3A_167 = vector.shape_cast %get3A_166 : vector<1x16xf32> to vector<16xf32>
      %mul3A_168 = arith.constant 5.000000e-01 : f32
      %mul3A_169 = vector.broadcast %mul3A_168 : f32 to vector<16xf32>
      %mul3A_170 = arith.mulf %mul3A_169, %get3A_163 : vector<16xf32>
      %exp3A_171 = math.exp %mul3A_170 : vector<16xf32>
      %mul3A_172 = arith.mulf %get3A_167, %exp3A_171 : vector<16xf32>
      %get3A_173 = arith.index_cast %scan3A_117 : i32 to index
      %get3A_174 = arith.index_cast %add3A_159 : i32 to index
      %get3A_175 = tpu.vector_load %arg10[%get3A_173, %get3A_174] {strides = array<i32>} : memref<128x128xf32, #tpu.memory_space<vmem>>, vector<1x16xf32>,
      %get3A_176 = vector.shape_cast %get3A_175 : vector<1x16xf32> to vector<16xf32>
      %add3A_177 = arith.addf %mul3A_172, %get3A_176 : vector<16xf32>
      %swap3A_178 = arith.index_cast %add3A_121 : i32 to index
      %swap3A_179 = arith.index_cast %add3A_157 : i32 to index
      %swap3A_180 = tpu.vector_load %arg9[%swap3A_178, %swap3A_179] {strides = array<i32>} : memref<128x128xf32, #tpu.memory_space<vmem>>, vector<1x16xf32>,
      %swap3A_181 = vector.shape_cast %swap3A_180 : vector<1x16xf32> to vector<16xf32>
      %swap3A_182 = vector.shape_cast %add3A_177 : vector<16xf32> to vector<1x16xf32>
      tpu.vector_store %arg9[%swap3A_178, %swap3A_179], %swap3A_182 {strides = array<i32>} : memref<128x128xf32, #tpu.memory_space<vmem>>, vector<1x16xf32>,
      %scan3A_183 = arith.constant 0 : i32
      %scan3A_184 = arith.constant 1 : i32
      %scan3A_185 = arith.addi %scan3A_117, %scan3A_184 : i32
      %div3A_186 = arith.constant 4 : i32
      %div3A_187 = arith.divsi %scan3A_185, %div3A_186 : i32
      %add3A_188 = arith.constant 64 : i32
      %add3A_189 = arith.addi %add3A_188, %div3A_187 : i32
      %add3A_190 = arith.constant 256 : i32
      %add3A_191 = arith.addi %add3A_190, %scan3A_185 : i32
      %get3A_192 = arith.index_cast %add3A_191 : i32 to index
      %get3A_193 = tpu.vector_load %arg7[%get3A_192] {strides = array<i32>} : memref<512xi32, #tpu.memory_space<vmem>>, vector<1xi32>,
      %get3A_194 = vector.shape_cast %get3A_193 : vector<1xi32> to vector<1xi32>
      %squeeze3A_195 = vector.extract %get3A_194[0] : i32 from vector<1xi32>
      %and3A_196 = arith.constant 3 : i32
      %and3A_197 = arith.andi %squeeze3A_195, %and3A_196 : i32
      %shift_left3A_198 = arith.constant 5 : i32
      %shift_left3A_199 = arith.shli %and3A_197, %shift_left3A_198 : i32
      %rem3A_200 = arith.constant 4 : i32
      %rem3A_201 = arith.remsi %scan3A_185, %rem3A_200 : i32
      %mul3A_202 = arith.constant 32 : i32
      %mul3A_203 = arith.muli %rem3A_201, %mul3A_202 : i32
      %add3A_204 = arith.constant 0 : i32
      %add3A_205 = arith.addi %mul3A_203, %add3A_204 : i32
      %add3A_206 = arith.constant 0 : i32
      %add3A_207 = arith.addi %shift_left3A_199, %add3A_206 : i32
      %get3A_208 = arith.index_cast %scan3A_185 : i32 to index
      %get3A_209 = arith.index_cast %add3A_207 : i32 to index
      %get3A_210 = tpu.vector_load %arg11[%get3A_208, %get3A_209] {strides = array<i32>} : memref<128x128xf32, #tpu.memory_space<vmem>>, vector<1x16xf32>,
      %get3A_211 = vector.shape_cast %get3A_210 : vector<1x16xf32> to vector<16xf32>
      %get3A_212 = arith.index_cast %add3A_189 : i32 to index
      %get3A_213 = arith.index_cast %add3A_205 : i32 to index
      %get3A_214 = tpu.vector_load %arg9[%get3A_212, %get3A_213] {strides = array<i32>} : memref<128x128xf32, #tpu.memory_space<vmem>>, vector<1x16xf32>,
      %get3A_215 = vector.shape_cast %get3A_214 : vector<1x16xf32> to vector<16xf32>
      %mul3A_216 = arith.constant 5.000000e-01 : f32
      %mul3A_217 = vector.broadcast %mul3A_216 : f32 to vector<16xf32>
      %mul3A_218 = arith.mulf %mul3A_217, %get3A_211 : vector<16xf32>
      %exp3A_219 = math.exp %mul3A_218 : vector<16xf32>
      %mul3A_220 = arith.mulf %get3A_215, %exp3A_219 : vector<16xf32>
      %get3A_221 = arith.index_cast %scan3A_185 : i32 to index
      %get3A_222 = arith.index_cast %add3A_207 : i32 to index
      %get3A_223 = tpu.vector_load %arg10[%get3A_221, %get3A_222] {strides = array<i32>} : memref<128x128xf32, #tpu.memory_space<vmem>>, vector<1x16xf32>,
      %get3A_224 = vector.shape_cast %get3A_223 : vector<1x16xf32> to vector<16xf32>
      %add3A_225 = arith.addf %mul3A_220, %get3A_224 : vector<16xf32>
      %swap3A_226 = arith.index_cast %add3A_189 : i32 to index
      %swap3A_227 = arith.index_cast %add3A_205 : i32 to index
      %swap3A_228 = tpu.vector_load %arg9[%swap3A_226, %swap3A_227] {strides = array<i32>} : memref<128x128xf32, #tpu.memory_space<vmem>>, vector<1x16xf32>,
      %swap3A_229 = vector.shape_cast %swap3A_228 : vector<1x16xf32> to vector<16xf32>
      %swap3A_230 = vector.shape_cast %add3A_225 : vector<16xf32> to vector<1x16xf32>
      tpu.vector_store %arg9[%swap3A_226, %swap3A_227], %swap3A_230 {strides = array<i32>} : memref<128x128xf32, #tpu.memory_space<vmem>>, vector<1x16xf32>,
      %add3A_231 = arith.constant 16 : i32
      %add3A_232 = arith.addi %mul3A_203, %add3A_231 : i32
      %add3A_233 = arith.constant 16 : i32
      %add3A_234 = arith.addi %shift_left3A_199, %add3A_233 : i32
      %get3A_235 = arith.index_cast %scan3A_185 : i32 to index
      %get3A_236 = arith.index_cast %add3A_234 : i32 to index
      %get3A_237 = tpu.vector_load %arg11[%get3A_235, %get3A_236] {strides = array<i32>} : memref<128x128xf32, #tpu.memory_space<vmem>>, vector<1x16xf32>,
      %get3A_238 = vector.shape_cast %get3A_237 : vector<1x16xf32> to vector<16xf32>
      %get3A_239 = arith.index_cast %add3A_189 : i32 to index
      %get3A_240 = arith.index_cast %add3A_232 : i32 to index
      %get3A_241 = tpu.vector_load %arg9[%get3A_239, %get3A_240] {strides = array<i32>} : memref<128x128xf32, #tpu.memory_space<vmem>>, vector<1x16xf32>,
      %get3A_242 = vector.shape_cast %get3A_241 : vector<1x16xf32> to vector<16xf32>
      %mul3A_243 = arith.constant 5.000000e-01 : f32
      %mul3A_244 = vector.broadcast %mul3A_243 : f32 to vector<16xf32>
      %mul3A_245 = arith.mulf %mul3A_244, %get3A_238 : vector<16xf32>
      %exp3A_246 = math.exp %mul3A_245 : vector<16xf32>
      %mul3A_247 = arith.mulf %get3A_242, %exp3A_246 : vector<16xf32>
      %get3A_248 = arith.index_cast %scan3A_185 : i32 to index
      %get3A_249 = arith.index_cast %add3A_234 : i32 to index
      %get3A_250 = tpu.vector_load %arg10[%get3A_248, %get3A_249] {strides = array<i32>} : memref<128x128xf32, #tpu.memory_space<vmem>>, vector<1x16xf32>,
      %get3A_251 = vector.shape_cast %get3A_250 : vector<1x16xf32> to vector<16xf32>
      %add3A_252 = arith.addf %mul3A_247, %get3A_251 : vector<16xf32>
      %swap3A_253 = arith.index_cast %add3A_189 : i32 to index
      %swap3A_254 = arith.index_cast %add3A_232 : i32 to index
      %swap3A_255 = tpu.vector_load %arg9[%swap3A_253, %swap3A_254] {strides = array<i32>} : memref<128x128xf32, #tpu.memory_space<vmem>>, vector<1x16xf32>,
      %swap3A_256 = vector.shape_cast %swap3A_255 : vector<1x16xf32> to vector<16xf32>
      %swap3A_257 = vector.shape_cast %add3A_252 : vector<16xf32> to vector<1x16xf32>
      tpu.vector_store %arg9[%swap3A_253, %swap3A_254], %swap3A_257 {strides = array<i32>} : memref<128x128xf32, #tpu.memory_space<vmem>>, vector<1x16xf32>,
      %scan3A_258 = arith.constant 0 : i32
      %scan3A_259 = arith.constant 2 : i32
      %scan3A_260 = arith.addi %scan3A_117, %scan3A_259 : i32
      %div3A_261 = arith.constant 4 : i32
      %div3A_262 = arith.divsi %scan3A_260, %div3A_261 : i32
      %add3A_263 = arith.constant 64 : i32
      %add3A_264 = arith.addi %add3A_263, %div3A_262 : i32
      %add3A_265 = arith.constant 256 : i32
      %add3A_266 = arith.addi %add3A_265, %scan3A_260 : i32
      %get3A_267 = arith.index_cast %add3A_266 : i32 to index
      %get3A_268 = tpu.vector_load %arg7[%get3A_267] {strides = array<i32>} : memref<512xi32, #tpu.memory_space<vmem>>, vector<1xi32>,
      %get3A_269 = vector.shape_cast %get3A_268 : vector<1xi32> to vector<1xi32>
      %squeeze3A_270 = vector.extract %get3A_269[0] : i32 from vector<1xi32>
      %and3A_271 = arith.constant 3 : i32
      %and3A_272 = arith.andi %squeeze3A_270, %and3A_271 : i32
      %shift_left3A_273 = arith.constant 5 : i32
      %shift_left3A_274 = arith.shli %and3A_272, %shift_left3A_273 : i32
      %rem3A_275 = arith.constant 4 : i32
      %rem3A_276 = arith.remsi %scan3A_260, %rem3A_275 : i32
      %mul3A_277 = arith.constant 32 : i32
      %mul3A_278 = arith.muli %rem3A_276, %mul3A_277 : i32
      %add3A_279 = arith.constant 0 : i32
      %add3A_280 = arith.addi %mul3A_278, %add3A_279 : i32
      %add3A_281 = arith.constant 0 : i32
      %add3A_282 = arith.addi %shift_left3A_274, %add3A_281 : i32
      %get3A_283 = arith.index_cast %scan3A_260 : i32 to index
      %get3A_284 = arith.index_cast %add3A_282 : i32 to index
      %get3A_285 = tpu.vector_load %arg11[%get3A_283, %get3A_284] {strides = array<i32>} : memref<128x128xf32, #tpu.memory_space<vmem>>, vector<1x16xf32>,
      %get3A_286 = vector.shape_cast %get3A_285 : vector<1x16xf32> to vector<16xf32>
      %get3A_287 = arith.index_cast %add3A_264 : i32 to index
      %get3A_288 = arith.index_cast %add3A_280 : i32 to index
      %get3A_289 = tpu.vector_load %arg9[%get3A_287, %get3A_288] {strides = array<i32>} : memref<128x128xf32, #tpu.memory_space<vmem>>, vector<1x16xf32>,
      %get3A_290 = vector.shape_cast %get3A_289 : vector<1x16xf32> to vector<16xf32>
      %mul3A_291 = arith.constant 5.000000e-01 : f32
      %mul3A_292 = vector.broadcast %mul3A_291 : f32 to vector<16xf32>
      %mul3A_293 = arith.mulf %mul3A_292, %get3A_286 : vector<16xf32>
      %exp3A_294 = math.exp %mul3A_293 : vector<16xf32>
      %mul3A_295 = arith.mulf %get3A_290, %exp3A_294 : vector<16xf32>
      %get3A_296 = arith.index_cast %scan3A_260 : i32 to index
      %get3A_297 = arith.index_cast %add3A_282 : i32 to index
      %get3A_298 = tpu.vector_load %arg10[%get3A_296, %get3A_297] {strides = array<i32>} : memref<128x128xf32, #tpu.memory_space<vmem>>, vector<1x16xf32>,
      %get3A_299 = vector.shape_cast %get3A_298 : vector<1x16xf32> to vector<16xf32>
      %add3A_300 = arith.addf %mul3A_295, %get3A_299 : vector<16xf32>
      %swap3A_301 = arith.index_cast %add3A_264 : i32 to index
      %swap3A_302 = arith.index_cast %add3A_280 : i32 to index
      %swap3A_303 = tpu.vector_load %arg9[%swap3A_301, %swap3A_302] {strides = array<i32>} : memref<128x128xf32, #tpu.memory_space<vmem>>, vector<1x16xf32>,
      %swap3A_304 = vector.shape_cast %swap3A_303 : vector<1x16xf32> to vector<16xf32>
      %swap3A_305 = vector.shape_cast %add3A_300 : vector<16xf32> to vector<1x16xf32>
      tpu.vector_store %arg9[%swap3A_301, %swap3A_302], %swap3A_305 {strides = array<i32>} : memref<128x128xf32, #tpu.memory_space<vmem>>, vector<1x16xf32>,
      %add3A_306 = arith.constant 16 : i32
      %add3A_307 = arith.addi %mul3A_278, %add3A_306 : i32
      %add3A_308 = arith.constant 16 : i32
      %add3A_309 = arith.addi %shift_left3A_274, %add3A_308 : i32
      %get3A_310 = arith.index_cast %scan3A_260 : i32 to index
      %get3A_311 = arith.index_cast %add3A_309 : i32 to index
      %get3A_312 = tpu.vector_load %arg11[%get3A_310, %get3A_311] {strides = array<i32>} : memref<128x128xf32, #tpu.memory_space<vmem>>, vector<1x16xf32>,
      %get3A_313 = vector.shape_cast %get3A_312 : vector<1x16xf32> to vector<16xf32>
      %get3A_314 = arith.index_cast %add3A_264 : i32 to index
      %get3A_315 = arith.index_cast %add3A_307 : i32 to index
      %get3A_316 = tpu.vector_load %arg9[%get3A_314, %get3A_315] {strides = array<i32>} : memref<128x128xf32, #tpu.memory_space<vmem>>, vector<1x16xf32>,
      %get3A_317 = vector.shape_cast %get3A_316 : vector<1x16xf32> to vector<16xf32>
      %mul3A_318 = arith.constant 5.000000e-01 : f32
      %mul3A_319 = vector.broadcast %mul3A_318 : f32 to vector<16xf32>
      %mul3A_320 = arith.mulf %mul3A_319, %get3A_313 : vector<16xf32>
      %exp3A_321 = math.exp %mul3A_320 : vector<16xf32>
      %mul3A_322 = arith.mulf %get3A_317, %exp3A_321 : vector<16xf32>
      %get3A_323 = arith.index_cast %scan3A_260 : i32 to index
      %get3A_324 = arith.index_cast %add3A_309 : i32 to index
      %get3A_325 = tpu.vector_load %arg10[%get3A_323, %get3A_324] {strides = array<i32>} : memref<128x128xf32, #tpu.memory_space<vmem>>, vector<1x16xf32>,
      %get3A_326 = vector.shape_cast %get3A_325 : vector<1x16xf32> to vector<16xf32>
      %add3A_327 = arith.addf %mul3A_322, %get3A_326 : vector<16xf32>
      %swap3A_328 = arith.index_cast %add3A_264 : i32 to index
      %swap3A_329 = arith.index_cast %add3A_307 : i32 to index
      %swap3A_330 = tpu.vector_load %arg9[%swap3A_328, %swap3A_329] {strides = array<i32>} : memref<128x128xf32, #tpu.memory_space<vmem>>, vector<1x16xf32>,
      %swap3A_331 = vector.shape_cast %swap3A_330 : vector<1x16xf32> to vector<16xf32>
      %swap3A_332 = vector.shape_cast %add3A_327 : vector<16xf32> to vector<1x16xf32>
      tpu.vector_store %arg9[%swap3A_328, %swap3A_329], %swap3A_332 {strides = array<i32>} : memref<128x128xf32, #tpu.memory_space<vmem>>, vector<1x16xf32>,
      %scan3A_333 = arith.constant 0 : i32
      %scan3A_334 = arith.constant 3 : i32
      %scan3A_335 = arith.addi %scan3A_117, %scan3A_334 : i32
      %div3A_336 = arith.constant 4 : i32
      %div3A_337 = arith.divsi %scan3A_335, %div3A_336 : i32
      %add3A_338 = arith.constant 64 : i32
      %add3A_339 = arith.addi %add3A_338, %div3A_337 : i32
      %add3A_340 = arith.constant 256 : i32
      %add3A_341 = arith.addi %add3A_340, %scan3A_335 : i32
      %get3A_342 = arith.index_cast %add3A_341 : i32 to index
      %get3A_343 = tpu.vector_load %arg7[%get3A_342] {strides = array<i32>} : memref<512xi32, #tpu.memory_space<vmem>>, vector<1xi32>,
      %get3A_344 = vector.shape_cast %get3A_343 : vector<1xi32> to vector<1xi32>
      %squeeze3A_345 = vector.extract %get3A_344[0] : i32 from vector<1xi32>
      %and3A_346 = arith.constant 3 : i32
      %and3A_347 = arith.andi %squeeze3A_345, %and3A_346 : i32
      %shift_left3A_348 = arith.constant 5 : i32
      %shift_left3A_349 = arith.shli %and3A_347, %shift_left3A_348 : i32
      %rem3A_350 = arith.constant 4 : i32
      %rem3A_351 = arith.remsi %scan3A_335, %rem3A_350 : i32
      %mul3A_352 = arith.constant 32 : i32
      %mul3A_353 = arith.muli %rem3A_351, %mul3A_352 : i32
      %add3A_354 = arith.constant 0 : i32
      %add3A_355 = arith.addi %mul3A_353, %add3A_354 : i32
      %add3A_356 = arith.constant 0 : i32
      %add3A_357 = arith.addi %shift_left3A_349, %add3A_356 : i32
      %get3A_358 = arith.index_cast %scan3A_335 : i32 to index
      %get3A_359 = arith.index_cast %add3A_357 : i32 to index
      %get3A_360 = tpu.vector_load %arg11[%get3A_358, %get3A_359] {strides = array<i32>} : memref<128x128xf32, #tpu.memory_space<vmem>>, vector<1x16xf32>,
      %get3A_361 = vector.shape_cast %get3A_360 : vector<1x16xf32> to vector<16xf32>
      %get3A_362 = arith.index_cast %add3A_339 : i32 to index
      %get3A_363 = arith.index_cast %add3A_355 : i32 to index
      %get3A_364 = tpu.vector_load %arg9[%get3A_362, %get3A_363] {strides = array<i32>} : memref<128x128xf32, #tpu.memory_space<vmem>>, vector<1x16xf32>,
      %get3A_365 = vector.shape_cast %get3A_364 : vector<1x16xf32> to vector<16xf32>
      %mul3A_366 = arith.constant 5.000000e-01 : f32
      %mul3A_367 = vector.broadcast %mul3A_366 : f32 to vector<16xf32>
      %mul3A_368 = arith.mulf %mul3A_367, %get3A_361 : vector<16xf32>
      %exp3A_369 = math.exp %mul3A_368 : vector<16xf32>
      %mul3A_370 = arith.mulf %get3A_365, %exp3A_369 : vector<16xf32>
      %get3A_371 = arith.index_cast %scan3A_335 : i32 to index
      %get3A_372 = arith.index_cast %add3A_357 : i32 to index
      %get3A_373 = tpu.vector_load %arg10[%get3A_371, %get3A_372] {strides = array<i32>} : memref<128x128xf32, #tpu.memory_space<vmem>>, vector<1x16xf32>,
      %get3A_374 = vector.shape_cast %get3A_373 : vector<1x16xf32> to vector<16xf32>
      %add3A_375 = arith.addf %mul3A_370, %get3A_374 : vector<16xf32>
      %swap3A_376 = arith.index_cast %add3A_339 : i32 to index
      %swap3A_377 = arith.index_cast %add3A_355 : i32 to index
      %swap3A_378 = tpu.vector_load %arg9[%swap3A_376, %swap3A_377] {strides = array<i32>} : memref<128x128xf32, #tpu.memory_space<vmem>>, vector<1x16xf32>,
      %swap3A_379 = vector.shape_cast %swap3A_378 : vector<1x16xf32> to vector<16xf32>
      %swap3A_380 = vector.shape_cast %add3A_375 : vector<16xf32> to vector<1x16xf32>
      tpu.vector_store %arg9[%swap3A_376, %swap3A_377], %swap3A_380 {strides = array<i32>} : memref<128x128xf32, #tpu.memory_space<vmem>>, vector<1x16xf32>,
      %add3A_381 = arith.constant 16 : i32
      %add3A_382 = arith.addi %mul3A_353, %add3A_381 : i32
      %add3A_383 = arith.constant 16 : i32
      %add3A_384 = arith.addi %shift_left3A_349, %add3A_383 : i32
      %get3A_385 = arith.index_cast %scan3A_335 : i32 to index
      %get3A_386 = arith.index_cast %add3A_384 : i32 to index
      %get3A_387 = tpu.vector_load %arg11[%get3A_385, %get3A_386] {strides = array<i32>} : memref<128x128xf32, #tpu.memory_space<vmem>>, vector<1x16xf32>,
      %get3A_388 = vector.shape_cast %get3A_387 : vector<1x16xf32> to vector<16xf32>
      %get3A_389 = arith.index_cast %add3A_339 : i32 to index
      %get3A_390 = arith.index_cast %add3A_382 : i32 to index
      %get3A_391 = tpu.vector_load %arg9[%get3A_389, %get3A_390] {strides = array<i32>} : memref<128x128xf32, #tpu.memory_space<vmem>>, vector<1x16xf32>,
      %get3A_392 = vector.shape_cast %get3A_391 : vector<1x16xf32> to vector<16xf32>
      %mul3A_393 = arith.constant 5.000000e-01 : f32
      %mul3A_394 = vector.broadcast %mul3A_393 : f32 to vector<16xf32>
      %mul3A_395 = arith.mulf %mul3A_394, %get3A_388 : vector<16xf32>
      %exp3A_396 = math.exp %mul3A_395 : vector<16xf32>
      %mul3A_397 = arith.mulf %get3A_392, %exp3A_396 : vector<16xf32>
      %get3A_398 = arith.index_cast %scan3A_335 : i32 to index
      %get3A_399 = arith.index_cast %add3A_384 : i32 to index
      %get3A_400 = tpu.vector_load %arg10[%get3A_398, %get3A_399] {strides = array<i32>} : memref<128x128xf32, #tpu.memory_space<vmem>>, vector<1x16xf32>,
      %get3A_401 = vector.shape_cast %get3A_400 : vector<1x16xf32> to vector<16xf32>
      %add3A_402 = arith.addf %mul3A_397, %get3A_401 : vector<16xf32>
      %swap3A_403 = arith.index_cast %add3A_339 : i32 to index
      %swap3A_404 = arith.index_cast %add3A_382 : i32 to index
      %swap3A_405 = tpu.vector_load %arg9[%swap3A_403, %swap3A_404] {strides = array<i32>} : memref<128x128xf32, #tpu.memory_space<vmem>>, vector<1x16xf32>,
      %swap3A_406 = vector.shape_cast %swap3A_405 : vector<1x16xf32> to vector<16xf32>
      %swap3A_407 = vector.shape_cast %add3A_402 : vector<16xf32> to vector<1x16xf32>
      tpu.vector_store %arg9[%swap3A_403, %swap3A_404], %swap3A_407 {strides = array<i32>} : memref<128x128xf32, #tpu.memory_space<vmem>>, vector<1x16xf32>,
      %scan3A_408 = arith.constant 0 : i32
      scf.yield %scan3A_408 : i32
    }
    %scan3A_89 = arith.constant 128 : i32
    %dma_start3A_90 = arith.constant 384 : i32
    %dma_start3A_91 = tpu.memref_slice %arg8[%dma_start3A_90] : memref<512xi32, #tpu.memory_space<vmem>> -> memref<128xi32, #tpu.memory_space<vmem>>
    %dma_start3A_92 = arith.constant 0 : i32
    %dma_start3A_93 = arith.constant 0 : i32
    %dma_start3A_94 = tpu.memref_slice %arg3[%dma_start3A_92, %dma_start3A_93] : memref<250000x128xf32, #tpu.memory_space<hbm>> -> memref<250000x128xf32, #tpu.memory_space<hbm>>
    tpu.enqueue_indirect_dma source(%dma_start3A_94 : memref<250000x128xf32, #tpu.memory_space<hbm>>) target(%arg10 : memref<128x128xf32, #tpu.memory_space<vmem>>) offsets(%dma_start3A_91 : memref<128xi32, #tpu.memory_space<vmem>>) semaphore(%arg12 : memref<!tpu.dma_semaphore, #tpu.memory_space<semaphore_mem>>)
    %dma_start3A_95 = arith.constant 384 : i32
    %dma_start3A_96 = tpu.memref_slice %arg8[%dma_start3A_95] : memref<512xi32, #tpu.memory_space<vmem>> -> memref<128xi32, #tpu.memory_space<vmem>>
    %dma_start3A_97 = arith.constant 0 : i32
    %dma_start3A_98 = arith.constant 0 : i32
    %dma_start3A_99 = tpu.memref_slice %arg4[%dma_start3A_97, %dma_start3A_98] : memref<250000x128xf32, #tpu.memory_space<hbm>> -> memref<250000x128xf32, #tpu.memory_space<hbm>>
    tpu.enqueue_indirect_dma source(%dma_start3A_99 : memref<250000x128xf32, #tpu.memory_space<hbm>>) target(%arg11 : memref<128x128xf32, #tpu.memory_space<vmem>>) offsets(%dma_start3A_96 : memref<128xi32, #tpu.memory_space<vmem>>) semaphore(%arg12 : memref<!tpu.dma_semaphore, #tpu.memory_space<semaphore_mem>>)
    %dma_wait3A_100 = arith.constant 384 : i32
    %dma_wait3A_101 = tpu.memref_slice %arg8[%dma_wait3A_100] : memref<512xi32, #tpu.memory_space<vmem>> -> memref<128xi32, #tpu.memory_space<vmem>>
    %dma_wait3A_102 = arith.constant 0 : i32
    %dma_wait3A_103 = arith.constant 0 : i32
    %dma_wait3A_104 = tpu.memref_slice %arg3[%dma_wait3A_102, %dma_wait3A_103] : memref<250000x128xf32, #tpu.memory_space<hbm>> -> memref<250000x128xf32, #tpu.memory_space<hbm>>
    tpu.wait_indirect_dma semaphore(%arg12 : memref<!tpu.dma_semaphore, #tpu.memory_space<semaphore_mem>>) src(%dma_wait3A_104 : memref<250000x128xf32, #tpu.memory_space<hbm>>) dst(%arg10 : memref<128x128xf32, #tpu.memory_space<vmem>>)
    %dma_wait3A_105 = arith.constant 384 : i32
    %dma_wait3A_106 = tpu.memref_slice %arg8[%dma_wait3A_105] : memref<512xi32, #tpu.memory_space<vmem>> -> memref<128xi32, #tpu.memory_space<vmem>>
    %dma_wait3A_107 = arith.constant 0 : i32
    %dma_wait3A_108 = arith.constant 0 : i32
    %dma_wait3A_109 = tpu.memref_slice %arg4[%dma_wait3A_107, %dma_wait3A_108] : memref<250000x128xf32, #tpu.memory_space<hbm>> -> memref<250000x128xf32, #tpu.memory_space<hbm>>
    tpu.wait_indirect_dma semaphore(%arg12 : memref<!tpu.dma_semaphore, #tpu.memory_space<semaphore_mem>>) src(%dma_wait3A_109 : memref<250000x128xf32, #tpu.memory_space<hbm>>) dst(%arg11 : memref<128x128xf32, #tpu.memory_space<vmem>>)
    %scan3A_110 = arith.constant 0 : i32
    %scan3A_111 = arith.constant 0 : i32
    %scan3A_112 = arith.constant 128 : i32
    %scan3A_113 = arith.addi %scan3A_111, %scan3A_112 : i32
    %scan3A_114 = arith.constant 4 : i32
    %scan3A_115 = scf.for %scan3A_117 = %scan3A_111 to %scan3A_113 step %scan3A_114 iter_args(%scan3A_118 = %scan3A_110) -> (i32)  : i32 {
      %div3A = arith.constant 4 : i32
      %div3A_119 = arith.divsi %scan3A_117, %div3A : i32
      %add3A_120 = arith.constant 96 : i32
      %add3A_121 = arith.addi %add3A_120, %div3A_119 : i32
      %add3A_122 = arith.constant 384 : i32
      %add3A_123 = arith.addi %add3A_122, %scan3A_117 : i32
      %get3A = arith.index_cast %add3A_123 : i32 to index
      %get3A_124 = tpu.vector_load %arg7[%get3A] {strides = array<i32>} : memref<512xi32, #tpu.memory_space<vmem>>, vector<1xi32>,
      %get3A_125 = vector.shape_cast %get3A_124 : vector<1xi32> to vector<1xi32>
      %squeeze3A = vector.extract %get3A_125[0] : i32 from vector<1xi32>
      %and3A = arith.constant 3 : i32
      %and3A_126 = arith.andi %squeeze3A, %and3A : i32
      %shift_left3A = arith.constant 5 : i32
      %shift_left3A_127 = arith.shli %and3A_126, %shift_left3A : i32
      %rem3A = arith.constant 4 : i32
      %rem3A_128 = arith.remsi %scan3A_117, %rem3A : i32
      %mul3A_129 = arith.constant 32 : i32
      %mul3A_130 = arith.muli %rem3A_128, %mul3A_129 : i32
      %add3A_131 = arith.constant 0 : i32
      %add3A_132 = arith.addi %mul3A_130, %add3A_131 : i32
      %add3A_133 = arith.constant 0 : i32
      %add3A_134 = arith.addi %shift_left3A_127, %add3A_133 : i32
      %get3A_135 = arith.index_cast %scan3A_117 : i32 to index
      %get3A_136 = arith.index_cast %add3A_134 : i32 to index
      %get3A_137 = tpu.vector_load %arg11[%get3A_135, %get3A_136] {strides = array<i32>} : memref<128x128xf32, #tpu.memory_space<vmem>>, vector<1x16xf32>,
      %get3A_138 = vector.shape_cast %get3A_137 : vector<1x16xf32> to vector<16xf32>
      %get3A_139 = arith.index_cast %add3A_121 : i32 to index
      %get3A_140 = arith.index_cast %add3A_132 : i32 to index
      %get3A_141 = tpu.vector_load %arg9[%get3A_139, %get3A_140] {strides = array<i32>} : memref<128x128xf32, #tpu.memory_space<vmem>>, vector<1x16xf32>,
      %get3A_142 = vector.shape_cast %get3A_141 : vector<1x16xf32> to vector<16xf32>
      %mul3A_143 = arith.constant 5.000000e-01 : f32
      %mul3A_144 = vector.broadcast %mul3A_143 : f32 to vector<16xf32>
      %mul3A_145 = arith.mulf %mul3A_144, %get3A_138 : vector<16xf32>
      %exp3A = math.exp %mul3A_145 : vector<16xf32>
      %mul3A_146 = arith.mulf %get3A_142, %exp3A : vector<16xf32>
      %get3A_147 = arith.index_cast %scan3A_117 : i32 to index
      %get3A_148 = arith.index_cast %add3A_134 : i32 to index
      %get3A_149 = tpu.vector_load %arg10[%get3A_147, %get3A_148] {strides = array<i32>} : memref<128x128xf32, #tpu.memory_space<vmem>>, vector<1x16xf32>,
      %get3A_150 = vector.shape_cast %get3A_149 : vector<1x16xf32> to vector<16xf32>
      %add3A_151 = arith.addf %mul3A_146, %get3A_150 : vector<16xf32>
      %swap3A = arith.index_cast %add3A_121 : i32 to index
      %swap3A_152 = arith.index_cast %add3A_132 : i32 to index
      %swap3A_153 = tpu.vector_load %arg9[%swap3A, %swap3A_152] {strides = array<i32>} : memref<128x128xf32, #tpu.memory_space<vmem>>, vector<1x16xf32>,
      %swap3A_154 = vector.shape_cast %swap3A_153 : vector<1x16xf32> to vector<16xf32>
      %swap3A_155 = vector.shape_cast %add3A_151 : vector<16xf32> to vector<1x16xf32>
      tpu.vector_store %arg9[%swap3A, %swap3A_152], %swap3A_155 {strides = array<i32>} : memref<128x128xf32, #tpu.memory_space<vmem>>, vector<1x16xf32>,
      %add3A_156 = arith.constant 16 : i32
      %add3A_157 = arith.addi %mul3A_130, %add3A_156 : i32
      %add3A_158 = arith.constant 16 : i32
      %add3A_159 = arith.addi %shift_left3A_127, %add3A_158 : i32
      %get3A_160 = arith.index_cast %scan3A_117 : i32 to index
      %get3A_161 = arith.index_cast %add3A_159 : i32 to index
      %get3A_162 = tpu.vector_load %arg11[%get3A_160, %get3A_161] {strides = array<i32>} : memref<128x128xf32, #tpu.memory_space<vmem>>, vector<1x16xf32>,
      %get3A_163 = vector.shape_cast %get3A_162 : vector<1x16xf32> to vector<16xf32>
      %get3A_164 = arith.index_cast %add3A_121 : i32 to index
      %get3A_165 = arith.index_cast %add3A_157 : i32 to index
      %get3A_166 = tpu.vector_load %arg9[%get3A_164, %get3A_165] {strides = array<i32>} : memref<128x128xf32, #tpu.memory_space<vmem>>, vector<1x16xf32>,
      %get3A_167 = vector.shape_cast %get3A_166 : vector<1x16xf32> to vector<16xf32>
      %mul3A_168 = arith.constant 5.000000e-01 : f32
      %mul3A_169 = vector.broadcast %mul3A_168 : f32 to vector<16xf32>
      %mul3A_170 = arith.mulf %mul3A_169, %get3A_163 : vector<16xf32>
      %exp3A_171 = math.exp %mul3A_170 : vector<16xf32>
      %mul3A_172 = arith.mulf %get3A_167, %exp3A_171 : vector<16xf32>
      %get3A_173 = arith.index_cast %scan3A_117 : i32 to index
      %get3A_174 = arith.index_cast %add3A_159 : i32 to index
      %get3A_175 = tpu.vector_load %arg10[%get3A_173, %get3A_174] {strides = array<i32>} : memref<128x128xf32, #tpu.memory_space<vmem>>, vector<1x16xf32>,
      %get3A_176 = vector.shape_cast %get3A_175 : vector<1x16xf32> to vector<16xf32>
      %add3A_177 = arith.addf %mul3A_172, %get3A_176 : vector<16xf32>
      %swap3A_178 = arith.index_cast %add3A_121 : i32 to index
      %swap3A_179 = arith.index_cast %add3A_157 : i32 to index
      %swap3A_180 = tpu.vector_load %arg9[%swap3A_178, %swap3A_179] {strides = array<i32>} : memref<128x128xf32, #tpu.memory_space<vmem>>, vector<1x16xf32>,
      %swap3A_181 = vector.shape_cast %swap3A_180 : vector<1x16xf32> to vector<16xf32>
      %swap3A_182 = vector.shape_cast %add3A_177 : vector<16xf32> to vector<1x16xf32>
      tpu.vector_store %arg9[%swap3A_178, %swap3A_179], %swap3A_182 {strides = array<i32>} : memref<128x128xf32, #tpu.memory_space<vmem>>, vector<1x16xf32>,
      %scan3A_183 = arith.constant 0 : i32
      %scan3A_184 = arith.constant 1 : i32
      %scan3A_185 = arith.addi %scan3A_117, %scan3A_184 : i32
      %div3A_186 = arith.constant 4 : i32
      %div3A_187 = arith.divsi %scan3A_185, %div3A_186 : i32
      %add3A_188 = arith.constant 96 : i32
      %add3A_189 = arith.addi %add3A_188, %div3A_187 : i32
      %add3A_190 = arith.constant 384 : i32
      %add3A_191 = arith.addi %add3A_190, %scan3A_185 : i32
      %get3A_192 = arith.index_cast %add3A_191 : i32 to index
      %get3A_193 = tpu.vector_load %arg7[%get3A_192] {strides = array<i32>} : memref<512xi32, #tpu.memory_space<vmem>>, vector<1xi32>,
      %get3A_194 = vector.shape_cast %get3A_193 : vector<1xi32> to vector<1xi32>
      %squeeze3A_195 = vector.extract %get3A_194[0] : i32 from vector<1xi32>
      %and3A_196 = arith.constant 3 : i32
      %and3A_197 = arith.andi %squeeze3A_195, %and3A_196 : i32
      %shift_left3A_198 = arith.constant 5 : i32
      %shift_left3A_199 = arith.shli %and3A_197, %shift_left3A_198 : i32
      %rem3A_200 = arith.constant 4 : i32
      %rem3A_201 = arith.remsi %scan3A_185, %rem3A_200 : i32
      %mul3A_202 = arith.constant 32 : i32
      %mul3A_203 = arith.muli %rem3A_201, %mul3A_202 : i32
      %add3A_204 = arith.constant 0 : i32
      %add3A_205 = arith.addi %mul3A_203, %add3A_204 : i32
      %add3A_206 = arith.constant 0 : i32
      %add3A_207 = arith.addi %shift_left3A_199, %add3A_206 : i32
      %get3A_208 = arith.index_cast %scan3A_185 : i32 to index
      %get3A_209 = arith.index_cast %add3A_207 : i32 to index
      %get3A_210 = tpu.vector_load %arg11[%get3A_208, %get3A_209] {strides = array<i32>} : memref<128x128xf32, #tpu.memory_space<vmem>>, vector<1x16xf32>,
      %get3A_211 = vector.shape_cast %get3A_210 : vector<1x16xf32> to vector<16xf32>
      %get3A_212 = arith.index_cast %add3A_189 : i32 to index
      %get3A_213 = arith.index_cast %add3A_205 : i32 to index
      %get3A_214 = tpu.vector_load %arg9[%get3A_212, %get3A_213] {strides = array<i32>} : memref<128x128xf32, #tpu.memory_space<vmem>>, vector<1x16xf32>,
      %get3A_215 = vector.shape_cast %get3A_214 : vector<1x16xf32> to vector<16xf32>
      %mul3A_216 = arith.constant 5.000000e-01 : f32
      %mul3A_217 = vector.broadcast %mul3A_216 : f32 to vector<16xf32>
      %mul3A_218 = arith.mulf %mul3A_217, %get3A_211 : vector<16xf32>
      %exp3A_219 = math.exp %mul3A_218 : vector<16xf32>
      %mul3A_220 = arith.mulf %get3A_215, %exp3A_219 : vector<16xf32>
      %get3A_221 = arith.index_cast %scan3A_185 : i32 to index
      %get3A_222 = arith.index_cast %add3A_207 : i32 to index
      %get3A_223 = tpu.vector_load %arg10[%get3A_221, %get3A_222] {strides = array<i32>} : memref<128x128xf32, #tpu.memory_space<vmem>>, vector<1x16xf32>,
      %get3A_224 = vector.shape_cast %get3A_223 : vector<1x16xf32> to vector<16xf32>
      %add3A_225 = arith.addf %mul3A_220, %get3A_224 : vector<16xf32>
      %swap3A_226 = arith.index_cast %add3A_189 : i32 to index
      %swap3A_227 = arith.index_cast %add3A_205 : i32 to index
      %swap3A_228 = tpu.vector_load %arg9[%swap3A_226, %swap3A_227] {strides = array<i32>} : memref<128x128xf32, #tpu.memory_space<vmem>>, vector<1x16xf32>,
      %swap3A_229 = vector.shape_cast %swap3A_228 : vector<1x16xf32> to vector<16xf32>
      %swap3A_230 = vector.shape_cast %add3A_225 : vector<16xf32> to vector<1x16xf32>
      tpu.vector_store %arg9[%swap3A_226, %swap3A_227], %swap3A_230 {strides = array<i32>} : memref<128x128xf32, #tpu.memory_space<vmem>>, vector<1x16xf32>,
      %add3A_231 = arith.constant 16 : i32
      %add3A_232 = arith.addi %mul3A_203, %add3A_231 : i32
      %add3A_233 = arith.constant 16 : i32
      %add3A_234 = arith.addi %shift_left3A_199, %add3A_233 : i32
      %get3A_235 = arith.index_cast %scan3A_185 : i32 to index
      %get3A_236 = arith.index_cast %add3A_234 : i32 to index
      %get3A_237 = tpu.vector_load %arg11[%get3A_235, %get3A_236] {strides = array<i32>} : memref<128x128xf32, #tpu.memory_space<vmem>>, vector<1x16xf32>,
      %get3A_238 = vector.shape_cast %get3A_237 : vector<1x16xf32> to vector<16xf32>
      %get3A_239 = arith.index_cast %add3A_189 : i32 to index
      %get3A_240 = arith.index_cast %add3A_232 : i32 to index
      %get3A_241 = tpu.vector_load %arg9[%get3A_239, %get3A_240] {strides = array<i32>} : memref<128x128xf32, #tpu.memory_space<vmem>>, vector<1x16xf32>,
      %get3A_242 = vector.shape_cast %get3A_241 : vector<1x16xf32> to vector<16xf32>
      %mul3A_243 = arith.constant 5.000000e-01 : f32
      %mul3A_244 = vector.broadcast %mul3A_243 : f32 to vector<16xf32>
      %mul3A_245 = arith.mulf %mul3A_244, %get3A_238 : vector<16xf32>
      %exp3A_246 = math.exp %mul3A_245 : vector<16xf32>
      %mul3A_247 = arith.mulf %get3A_242, %exp3A_246 : vector<16xf32>
      %get3A_248 = arith.index_cast %scan3A_185 : i32 to index
      %get3A_249 = arith.index_cast %add3A_234 : i32 to index
      %get3A_250 = tpu.vector_load %arg10[%get3A_248, %get3A_249] {strides = array<i32>} : memref<128x128xf32, #tpu.memory_space<vmem>>, vector<1x16xf32>,
      %get3A_251 = vector.shape_cast %get3A_250 : vector<1x16xf32> to vector<16xf32>
      %add3A_252 = arith.addf %mul3A_247, %get3A_251 : vector<16xf32>
      %swap3A_253 = arith.index_cast %add3A_189 : i32 to index
      %swap3A_254 = arith.index_cast %add3A_232 : i32 to index
      %swap3A_255 = tpu.vector_load %arg9[%swap3A_253, %swap3A_254] {strides = array<i32>} : memref<128x128xf32, #tpu.memory_space<vmem>>, vector<1x16xf32>,
      %swap3A_256 = vector.shape_cast %swap3A_255 : vector<1x16xf32> to vector<16xf32>
      %swap3A_257 = vector.shape_cast %add3A_252 : vector<16xf32> to vector<1x16xf32>
      tpu.vector_store %arg9[%swap3A_253, %swap3A_254], %swap3A_257 {strides = array<i32>} : memref<128x128xf32, #tpu.memory_space<vmem>>, vector<1x16xf32>,
      %scan3A_258 = arith.constant 0 : i32
      %scan3A_259 = arith.constant 2 : i32
      %scan3A_260 = arith.addi %scan3A_117, %scan3A_259 : i32
      %div3A_261 = arith.constant 4 : i32
      %div3A_262 = arith.divsi %scan3A_260, %div3A_261 : i32
      %add3A_263 = arith.constant 96 : i32
      %add3A_264 = arith.addi %add3A_263, %div3A_262 : i32
      %add3A_265 = arith.constant 384 : i32
      %add3A_266 = arith.addi %add3A_265, %scan3A_260 : i32
      %get3A_267 = arith.index_cast %add3A_266 : i32 to index
      %get3A_268 = tpu.vector_load %arg7[%get3A_267] {strides = array<i32>} : memref<512xi32, #tpu.memory_space<vmem>>, vector<1xi32>,
      %get3A_269 = vector.shape_cast %get3A_268 : vector<1xi32> to vector<1xi32>
      %squeeze3A_270 = vector.extract %get3A_269[0] : i32 from vector<1xi32>
      %and3A_271 = arith.constant 3 : i32
      %and3A_272 = arith.andi %squeeze3A_270, %and3A_271 : i32
      %shift_left3A_273 = arith.constant 5 : i32
      %shift_left3A_274 = arith.shli %and3A_272, %shift_left3A_273 : i32
      %rem3A_275 = arith.constant 4 : i32
      %rem3A_276 = arith.remsi %scan3A_260, %rem3A_275 : i32
      %mul3A_277 = arith.constant 32 : i32
      %mul3A_278 = arith.muli %rem3A_276, %mul3A_277 : i32
      %add3A_279 = arith.constant 0 : i32
      %add3A_280 = arith.addi %mul3A_278, %add3A_279 : i32
      %add3A_281 = arith.constant 0 : i32
      %add3A_282 = arith.addi %shift_left3A_274, %add3A_281 : i32
      %get3A_283 = arith.index_cast %scan3A_260 : i32 to index
      %get3A_284 = arith.index_cast %add3A_282 : i32 to index
      %get3A_285 = tpu.vector_load %arg11[%get3A_283, %get3A_284] {strides = array<i32>} : memref<128x128xf32, #tpu.memory_space<vmem>>, vector<1x16xf32>,
      %get3A_286 = vector.shape_cast %get3A_285 : vector<1x16xf32> to vector<16xf32>
      %get3A_287 = arith.index_cast %add3A_264 : i32 to index
      %get3A_288 = arith.index_cast %add3A_280 : i32 to index
      %get3A_289 = tpu.vector_load %arg9[%get3A_287, %get3A_288] {strides = array<i32>} : memref<128x128xf32, #tpu.memory_space<vmem>>, vector<1x16xf32>,
      %get3A_290 = vector.shape_cast %get3A_289 : vector<1x16xf32> to vector<16xf32>
      %mul3A_291 = arith.constant 5.000000e-01 : f32
      %mul3A_292 = vector.broadcast %mul3A_291 : f32 to vector<16xf32>
      %mul3A_293 = arith.mulf %mul3A_292, %get3A_286 : vector<16xf32>
      %exp3A_294 = math.exp %mul3A_293 : vector<16xf32>
      %mul3A_295 = arith.mulf %get3A_290, %exp3A_294 : vector<16xf32>
      %get3A_296 = arith.index_cast %scan3A_260 : i32 to index
      %get3A_297 = arith.index_cast %add3A_282 : i32 to index
      %get3A_298 = tpu.vector_load %arg10[%get3A_296, %get3A_297] {strides = array<i32>} : memref<128x128xf32, #tpu.memory_space<vmem>>, vector<1x16xf32>,
      %get3A_299 = vector.shape_cast %get3A_298 : vector<1x16xf32> to vector<16xf32>
      %add3A_300 = arith.addf %mul3A_295, %get3A_299 : vector<16xf32>
      %swap3A_301 = arith.index_cast %add3A_264 : i32 to index
      %swap3A_302 = arith.index_cast %add3A_280 : i32 to index
      %swap3A_303 = tpu.vector_load %arg9[%swap3A_301, %swap3A_302] {strides = array<i32>} : memref<128x128xf32, #tpu.memory_space<vmem>>, vector<1x16xf32>,
      %swap3A_304 = vector.shape_cast %swap3A_303 : vector<1x16xf32> to vector<16xf32>
      %swap3A_305 = vector.shape_cast %add3A_300 : vector<16xf32> to vector<1x16xf32>
      tpu.vector_store %arg9[%swap3A_301, %swap3A_302], %swap3A_305 {strides = array<i32>} : memref<128x128xf32, #tpu.memory_space<vmem>>, vector<1x16xf32>,
      %add3A_306 = arith.constant 16 : i32
      %add3A_307 = arith.addi %mul3A_278, %add3A_306 : i32
      %add3A_308 = arith.constant 16 : i32
      %add3A_309 = arith.addi %shift_left3A_274, %add3A_308 : i32
      %get3A_310 = arith.index_cast %scan3A_260 : i32 to index
      %get3A_311 = arith.index_cast %add3A_309 : i32 to index
      %get3A_312 = tpu.vector_load %arg11[%get3A_310, %get3A_311] {strides = array<i32>} : memref<128x128xf32, #tpu.memory_space<vmem>>, vector<1x16xf32>,
      %get3A_313 = vector.shape_cast %get3A_312 : vector<1x16xf32> to vector<16xf32>
      %get3A_314 = arith.index_cast %add3A_264 : i32 to index
      %get3A_315 = arith.index_cast %add3A_307 : i32 to index
      %get3A_316 = tpu.vector_load %arg9[%get3A_314, %get3A_315] {strides = array<i32>} : memref<128x128xf32, #tpu.memory_space<vmem>>, vector<1x16xf32>,
      %get3A_317 = vector.shape_cast %get3A_316 : vector<1x16xf32> to vector<16xf32>
      %mul3A_318 = arith.constant 5.000000e-01 : f32
      %mul3A_319 = vector.broadcast %mul3A_318 : f32 to vector<16xf32>
      %mul3A_320 = arith.mulf %mul3A_319, %get3A_313 : vector<16xf32>
      %exp3A_321 = math.exp %mul3A_320 : vector<16xf32>
      %mul3A_322 = arith.mulf %get3A_317, %exp3A_321 : vector<16xf32>
      %get3A_323 = arith.index_cast %scan3A_260 : i32 to index
      %get3A_324 = arith.index_cast %add3A_309 : i32 to index
      %get3A_325 = tpu.vector_load %arg10[%get3A_323, %get3A_324] {strides = array<i32>} : memref<128x128xf32, #tpu.memory_space<vmem>>, vector<1x16xf32>,
      %get3A_326 = vector.shape_cast %get3A_325 : vector<1x16xf32> to vector<16xf32>
      %add3A_327 = arith.addf %mul3A_322, %get3A_326 : vector<16xf32>
      %swap3A_328 = arith.index_cast %add3A_264 : i32 to index
      %swap3A_329 = arith.index_cast %add3A_307 : i32 to index
      %swap3A_330 = tpu.vector_load %arg9[%swap3A_328, %swap3A_329] {strides = array<i32>} : memref<128x128xf32, #tpu.memory_space<vmem>>, vector<1x16xf32>,
      %swap3A_331 = vector.shape_cast %swap3A_330 : vector<1x16xf32> to vector<16xf32>
      %swap3A_332 = vector.shape_cast %add3A_327 : vector<16xf32> to vector<1x16xf32>
      tpu.vector_store %arg9[%swap3A_328, %swap3A_329], %swap3A_332 {strides = array<i32>} : memref<128x128xf32, #tpu.memory_space<vmem>>, vector<1x16xf32>,
      %scan3A_333 = arith.constant 0 : i32
      %scan3A_334 = arith.constant 3 : i32
      %scan3A_335 = arith.addi %scan3A_117, %scan3A_334 : i32
      %div3A_336 = arith.constant 4 : i32
      %div3A_337 = arith.divsi %scan3A_335, %div3A_336 : i32
      %add3A_338 = arith.constant 96 : i32
      %add3A_339 = arith.addi %add3A_338, %div3A_337 : i32
      %add3A_340 = arith.constant 384 : i32
      %add3A_341 = arith.addi %add3A_340, %scan3A_335 : i32
      %get3A_342 = arith.index_cast %add3A_341 : i32 to index
      %get3A_343 = tpu.vector_load %arg7[%get3A_342] {strides = array<i32>} : memref<512xi32, #tpu.memory_space<vmem>>, vector<1xi32>,
      %get3A_344 = vector.shape_cast %get3A_343 : vector<1xi32> to vector<1xi32>
      %squeeze3A_345 = vector.extract %get3A_344[0] : i32 from vector<1xi32>
      %and3A_346 = arith.constant 3 : i32
      %and3A_347 = arith.andi %squeeze3A_345, %and3A_346 : i32
      %shift_left3A_348 = arith.constant 5 : i32
      %shift_left3A_349 = arith.shli %and3A_347, %shift_left3A_348 : i32
      %rem3A_350 = arith.constant 4 : i32
      %rem3A_351 = arith.remsi %scan3A_335, %rem3A_350 : i32
      %mul3A_352 = arith.constant 32 : i32
      %mul3A_353 = arith.muli %rem3A_351, %mul3A_352 : i32
      %add3A_354 = arith.constant 0 : i32
      %add3A_355 = arith.addi %mul3A_353, %add3A_354 : i32
      %add3A_356 = arith.constant 0 : i32
      %add3A_357 = arith.addi %shift_left3A_349, %add3A_356 : i32
      %get3A_358 = arith.index_cast %scan3A_335 : i32 to index
      %get3A_359 = arith.index_cast %add3A_357 : i32 to index
      %get3A_360 = tpu.vector_load %arg11[%get3A_358, %get3A_359] {strides = array<i32>} : memref<128x128xf32, #tpu.memory_space<vmem>>, vector<1x16xf32>,
      %get3A_361 = vector.shape_cast %get3A_360 : vector<1x16xf32> to vector<16xf32>
      %get3A_362 = arith.index_cast %add3A_339 : i32 to index
      %get3A_363 = arith.index_cast %add3A_355 : i32 to index
      %get3A_364 = tpu.vector_load %arg9[%get3A_362, %get3A_363] {strides = array<i32>} : memref<128x128xf32, #tpu.memory_space<vmem>>, vector<1x16xf32>,
      %get3A_365 = vector.shape_cast %get3A_364 : vector<1x16xf32> to vector<16xf32>
      %mul3A_366 = arith.constant 5.000000e-01 : f32
      %mul3A_367 = vector.broadcast %mul3A_366 : f32 to vector<16xf32>
      %mul3A_368 = arith.mulf %mul3A_367, %get3A_361 : vector<16xf32>
      %exp3A_369 = math.exp %mul3A_368 : vector<16xf32>
      %mul3A_370 = arith.mulf %get3A_365, %exp3A_369 : vector<16xf32>
      %get3A_371 = arith.index_cast %scan3A_335 : i32 to index
      %get3A_372 = arith.index_cast %add3A_357 : i32 to index
      %get3A_373 = tpu.vector_load %arg10[%get3A_371, %get3A_372] {strides = array<i32>} : memref<128x128xf32, #tpu.memory_space<vmem>>, vector<1x16xf32>,
      %get3A_374 = vector.shape_cast %get3A_373 : vector<1x16xf32> to vector<16xf32>
      %add3A_375 = arith.addf %mul3A_370, %get3A_374 : vector<16xf32>
      %swap3A_376 = arith.index_cast %add3A_339 : i32 to index
      %swap3A_377 = arith.index_cast %add3A_355 : i32 to index
      %swap3A_378 = tpu.vector_load %arg9[%swap3A_376, %swap3A_377] {strides = array<i32>} : memref<128x128xf32, #tpu.memory_space<vmem>>, vector<1x16xf32>,
      %swap3A_379 = vector.shape_cast %swap3A_378 : vector<1x16xf32> to vector<16xf32>
      %swap3A_380 = vector.shape_cast %add3A_375 : vector<16xf32> to vector<1x16xf32>
      tpu.vector_store %arg9[%swap3A_376, %swap3A_377], %swap3A_380 {strides = array<i32>} : memref<128x128xf32, #tpu.memory_space<vmem>>, vector<1x16xf32>,
      %add3A_381 = arith.constant 16 : i32
      %add3A_382 = arith.addi %mul3A_353, %add3A_381 : i32
      %add3A_383 = arith.constant 16 : i32
      %add3A_384 = arith.addi %shift_left3A_349, %add3A_383 : i32
      %get3A_385 = arith.index_cast %scan3A_335 : i32 to index
      %get3A_386 = arith.index_cast %add3A_384 : i32 to index
      %get3A_387 = tpu.vector_load %arg11[%get3A_385, %get3A_386] {strides = array<i32>} : memref<128x128xf32, #tpu.memory_space<vmem>>, vector<1x16xf32>,
      %get3A_388 = vector.shape_cast %get3A_387 : vector<1x16xf32> to vector<16xf32>
      %get3A_389 = arith.index_cast %add3A_339 : i32 to index
      %get3A_390 = arith.index_cast %add3A_382 : i32 to index
      %get3A_391 = tpu.vector_load %arg9[%get3A_389, %get3A_390] {strides = array<i32>} : memref<128x128xf32, #tpu.memory_space<vmem>>, vector<1x16xf32>,
      %get3A_392 = vector.shape_cast %get3A_391 : vector<1x16xf32> to vector<16xf32>
      %mul3A_393 = arith.constant 5.000000e-01 : f32
      %mul3A_394 = vector.broadcast %mul3A_393 : f32 to vector<16xf32>
      %mul3A_395 = arith.mulf %mul3A_394, %get3A_388 : vector<16xf32>
      %exp3A_396 = math.exp %mul3A_395 : vector<16xf32>
      %mul3A_397 = arith.mulf %get3A_392, %exp3A_396 : vector<16xf32>
      %get3A_398 = arith.index_cast %scan3A_335 : i32 to index
      %get3A_399 = arith.index_cast %add3A_384 : i32 to index
      %get3A_400 = tpu.vector_load %arg10[%get3A_398, %get3A_399] {strides = array<i32>} : memref<128x128xf32, #tpu.memory_space<vmem>>, vector<1x16xf32>,
      %get3A_401 = vector.shape_cast %get3A_400 : vector<1x16xf32> to vector<16xf32>
      %add3A_402 = arith.addf %mul3A_397, %get3A_401 : vector<16xf32>
      %swap3A_403 = arith.index_cast %add3A_339 : i32 to index
      %swap3A_404 = arith.index_cast %add3A_382 : i32 to index
      %swap3A_405 = tpu.vector_load %arg9[%swap3A_403, %swap3A_404] {strides = array<i32>} : memref<128x128xf32, #tpu.memory_space<vmem>>, vector<1x16xf32>,
      %swap3A_406 = vector.shape_cast %swap3A_405 : vector<1x16xf32> to vector<16xf32>
      %swap3A_407 = vector.shape_cast %add3A_402 : vector<16xf32> to vector<1x16xf32>
      tpu.vector_store %arg9[%swap3A_403, %swap3A_404], %swap3A_407 {strides = array<i32>} : memref<128x128xf32, #tpu.memory_space<vmem>>, vector<1x16xf32>,
      %scan3A_408 = arith.constant 0 : i32
      scf.yield %scan3A_408 : i32
    }
    %scan3A_116 = arith.constant 128 : i32
    "tpu.region"() ({
      %run_scoped3A = tpu.sem_alloc : memref<!tpu.dma_semaphore, #tpu.memory_space<semaphore_mem>>
      %dma_start3A_117 = arith.constant 0 : i32
      %dma_start3A_118 = tpu.memref_slice %arg6[%mul3A_4, %dma_start3A_117] : memref<4096x128xf32, #tpu.memory_space<hbm>> -> memref<128x128xf32, #tpu.memory_space<hbm>>
      %dma_start3A_119 = arith.constant 0 : i32
      %dma_start3A_120 = tpu.memref_slice %arg6[%mul3A_4, %dma_start3A_119] : memref<4096x128xf32, #tpu.memory_space<hbm>> -> memref<128x128xf32, #tpu.memory_space<hbm>>
      tpu.enqueue_dma source(%arg9 : memref<128x128xf32, #tpu.memory_space<vmem>>) target(%dma_start3A_120 : memref<128x128xf32, #tpu.memory_space<hbm>>) target_semaphore(%run_scoped3A : memref<!tpu.dma_semaphore, #tpu.memory_space<semaphore_mem>>)
      %dma_wait3A_121 = arith.constant 0 : i32
      %dma_wait3A_122 = tpu.memref_slice %arg6[%mul3A_4, %dma_wait3A_121] : memref<4096x128xf32, #tpu.memory_space<hbm>> -> memref<128x128xf32, #tpu.memory_space<hbm>>
      %dma_wait3A_123 = arith.constant 0 : i32
      %dma_wait3A_124 = tpu.memref_slice %arg6[%mul3A_4, %dma_wait3A_123] : memref<4096x128xf32, #tpu.memory_space<hbm>> -> memref<128x128xf32, #tpu.memory_space<hbm>>
      tpu.wait_dma2 semaphore(%run_scoped3A : memref<!tpu.dma_semaphore, #tpu.memory_space<semaphore_mem>>) src(%arg9 : memref<128x128xf32, #tpu.memory_space<vmem>>) dst(%dma_wait3A_124 : memref<128x128xf32, #tpu.memory_space<hbm>>)
      tpu.yield
    }) : () -> ()
    return
  }
}

</mosaic_0001>

<sc_bundles>
// kernel: kernel.3.cloned.1.call-start
scs
__scs_entry_jumppad:
0x0: {  	(pc) =	sbr.rel $0x88, $3  }
0x1: {  	(tag) =	ssettag $0x0;
	lr =	simm.s32 $0x1  }
0x2: {  	[smem:$0x3F9D] =	sst lr;
	_ =	strace $0xD0000000  }
0x3: {  	_ = 	snop  }
0x4: {  	_ = 	snop  }
0x5: {  	_ = 	snop  }
0x6: {  	_ = 	snop  }
0x7: {  	_ = 	snop  }
__scs_overlays_trampoline_lowered:
0x8: {  	[smem:$0x3FAC] =	sst s0  }
0x9: {  	[smem:$0x3FAD] =	sst s1  }
0xa: {  	[smem:$0x3FAE] =	sst s2  }
0xb: {  	[smem:$0x3FAF] =	sst s3  }
0xc: {  	[smem:$0x3FB0] =	sst s4  }
0xd: {  	[smem:$0x3FB1] =	sst s5  }
0xe: {  	[smem:$0x3FB2] =	sst s6  }
0xf: {  	[smem:$0x3FB3] =	sst s7  }
0x10: {  	[smem:$0x3FB4] =	sst s8  }
0x11: {  	[smem:$0x3FB5] =	sst s9;
	s0 =	simm.s32 @!p0 $0x0  }
0x12: {  	s1 =	sld [smem:$0x3F9B];
	s0 =	simm.s32 @p0 $0x1  }
0x13: {  	[smem:$0x3FB6] =	sst s0;
	s0 =	simm.s32 @!p1 $0x0  }
0x14: {  	s2 =	sld [smem:$0x3F9A];
	s0 =	simm.s32 @p1 $0x1  }
0x15: {  	[smem:$0x3FB7] =	sst s0;
	s0 =	simm.s32 @!p2 $0x0  }
0x16: {  	s3 =	sld [smem:$0x3FDB];
	s0 =	simm.s32 @p2 $0x1  }
0x17: {  	s4 =	simm.s32 $0x1BF5;
	[smem:$0x3FB9] =	sst s0  }
0x18: {  	s0 =	sld [smem:$0x3F9C];
	_ =	swait.ge [sflag:s4], $0x0  }
0x19: {  	s7 =	sld [smem:$0x3F9D]  }
0x1a: {  	s8 =	sadd.s32 $0xFFFFE003, lr  }
0x1b: {  	s9 =	sadd.s32 $0xFFFFFEF7, lr;
	s5 =	simm.s32 $0xFFFFFFFF;
	p2 =	slt.u32 s8, $0xFFFFF086  }
0x1c: {  	p1 =	slt.u32 s9, $0xF7A;
	s5 =	simm.s32 @!p2 $0x0  }
0x1d: {  	s5 =	simm.s32 @p1 $0x1;
	p0 =	seq.s32 s7, s2  }
0x1e: {  	s7 =	smul.u32 @!p0 $0xF7A, s2;
	p2 =	seq.s32 @!p0 s5, $0x0  }
0x1f: {  	s9 =	smul.u32 $0xF7A, s1;
	s8 =	simm.s32 @!p0 $0x1BF5;
	p2 =	por !p2, p0  }
0x20: {  	[sflag:s8] =	ssyncset.s32 @!p0 $0xFFFFF086;
	s6 =	sadd.s32 @!p0 s3, s7;
	s7 =	simm.s32 @!p0 $0x108  }
0x21: {  	s3 =	sadd.s32 s3, s9;
	s6 =	sadd.s32 @!p0 $0x88, s6;
	s7 =	simm.s32 @p2 $0x1082  }
0x22: {  	[simem:s7], [sflag:s8] =	dma.local @!p0 [hbm:s6], $0xF7A  }
0x23: {  	s9 =	sor.u32 $0xD0000000, s2;
	s6 =	simm.s32 $0x108;
	_ =	swait.ge @!p0 [sflag:s8], $0x0  }
0x24: {  	s3 =	sadd.s32 $0x88, s3;
	s6 =	simm.s32 @!p1 $0x1082;
	[sflag:s4] =	ssyncset.s32 $0xFFFFF086  }
0x25: {  	[simem:s6], [sflag:s4] =	dma.local [hbm:s3], $0xF7A  }
0x26: {  	[smem:$0x3F9D] =	sst s1;
	(tag) =	ssettag s2;
	_ =	strace s9  }
0x27: {  	s1 =	sld [smem:$0x3FAD]  }
0x28: {  	s2 =	sld [smem:$0x3FAE]  }
0x29: {  	s4 =	sld [smem:$0x3FB0]  }
0x2a: {  	p0 =	seq.s32 s5, $0x0;
	s5 =	sld [smem:$0x3FB1]  }
0x2b: {  	s6 =	sld [smem:$0x3FB2]  }
0x2c: {  	s7 =	sld [smem:$0x3FB3]  }
0x2d: {  	s3 =	simm.s32 $0x108;
	s8 =	sld [smem:$0x3FB4]  }
0x2e: {  	s3 =	simm.s32 @!p0 $0x1082;
	s9 =	sld [smem:$0x3FB5]  }
0x2f: {  	lr =	sadd.s32 s0, s3;
	s0 =	sld [smem:$0x3FAC]  }
0x30: {  	s3 =	sld [smem:$0x3FAF]  }
0x31: {  	[smem:$0x3FB8] =	sst s10  }
0x32: {  	s10 =	sld [smem:$0x3FB6];
	_ =	sdelay $0x3  }
0x33: {  	p0 =	seq.s32 s10, $0x1;
	s10 =	sld [smem:$0x3FB8];
	_ =	sdelay $0x3  }
0x34: {  	[smem:$0x3FB8] =	sst s10  }
0x35: {  	s10 =	sld [smem:$0x3FB7];
	_ =	sdelay $0x3  }
0x36: {  	p1 =	seq.s32 s10, $0x1;
	s10 =	sld [smem:$0x3FB8];
	_ =	sdelay $0x3  }
0x37: {  	[smem:$0x3FB8] =	sst s10  }
0x38: {  	s10 =	sld [smem:$0x3FB9]  }
0x39: {  	_ = 	snop;
	(pc) =	sbr.ind lr, $3  }
0x3a: {  	_ = 	snop  }
0x3b: {  	_ = 	snop  }
0x3c: {  	p2 =	seq.s32 s10, $0x1;
	s10 =	sld [smem:$0x3FB8]  }
0x3d: {  	_ =	shalt  }
0x3e: {  	_ =	shalt  }
0x3f: {  	_ =	shalt  }
0x40: {  	_ =	shalt  }
0x41: {  	_ =	shalt  }
0x42: {  	_ =	shalt  }
0x43: {  	_ =	shalt  }
0x44: {  	_ =	shalt  }
0x45: {  	_ =	shalt  }
0x46: {  	_ =	shalt  }
0x47: {  	_ =	shalt  }
0x48: {  	_ =	shalt  }
0x49: {  	_ =	shalt  }
0x4a: {  	_ =	shalt  }
0x4b: {  	_ =	shalt  }
0x4c: {  	_ =	shalt  }
0x4d: {  	_ =	shalt  }
0x4e: {  	_ =	shalt  }
0x4f: {  	_ =	shalt  }
0x50: {  	_ =	shalt  }
0x51: {  	_ =	shalt  }
0x52: {  	_ =	shalt  }
0x53: {  	_ =	shalt  }
0x54: {  	_ =	shalt  }
0x55: {  	_ =	shalt  }
0x56: {  	_ =	shalt  }
0x57: {  	_ =	shalt  }
0x58: {  	_ =	shalt  }
0x59: {  	_ =	shalt  }
0x5a: {  	_ =	shalt  }
0x5b: {  	_ =	shalt  }
0x5c: {  	_ =	shalt  }
0x5d: {  	_ =	shalt  }
0x5e: {  	_ =	shalt  }
0x5f: {  	_ =	shalt  }
0x60: {  	_ =	shalt  }
0x61: {  	_ =	shalt  }
0x62: {  	_ =	shalt  }
0x63: {  	_ =	shalt  }
0x64: {  	_ =	shalt  }
0x65: {  	_ =	shalt  }
0x66: {  	_ =	shalt  }
0x67: {  	_ =	shalt  }
0x68: {  	_ =	shalt  }
0x69: {  	_ =	shalt  }
0x6a: {  	_ =	shalt  }
0x6b: {  	_ =	shalt  }
0x6c: {  	_ =	shalt  }
0x6d: {  	_ =	shalt  }
0x6e: {  	_ =	shalt  }
0x6f: {  	_ =	shalt  }
0x70: {  	_ =	shalt  }
0x71: {  	_ =	shalt  }
0x72: {  	_ =	shalt  }
0x73: {  	_ =	shalt  }
0x74: {  	_ =	shalt  }
0x75: {  	_ =	shalt  }
0x76: {  	_ =	shalt  }
0x77: {  	_ =	shalt  }
0x78: {  	_ =	shalt  }
0x79: {  	_ =	shalt  }
0x7a: {  	_ =	shalt  }
0x7b: {  	_ =	shalt  }
0x7c: {  	_ =	shalt  }
0x7d: {  	_ =	shalt  }
0x7e: {  	_ =	shalt  }
0x7f: {  	_ =	shalt  }
0x80: {  	_ =	shalt  }
0x81: {  	_ =	shalt  }
0x82: {  	_ =	shalt  }
0x83: {  	_ =	shalt  }
0x84: {  	_ =	shalt  }
0x85: {  	_ =	shalt  }
0x86: {  	_ =	shalt  }
0x87: {  	_ =	shalt  }
.Lfunc_end0:
.L_simem_size_0:
called_computation_lowered:
.L_overlay_start_0:
0x88: {  	s2 =	sld [smem:$0x3FD9]  }
0x89: {  	s3 =	sld [smem:$0x3FFE];
	_ =	sdelay $0x1  }
0x8a: {  	s1 =	srdreg.scid  }
0x8b: {  	s0 =	sand.u32 $0x1, s1  }
0x8c: {  	s17 =	sshll.u32 s0, $0xA;
	s2 =	sadd.s32 s3, s2  }
0x8d: {  	s2 =	sadd.s32 s2, s17  }
0x8e: {  	[smem:$0x3FC4] =	sst s2  }
0x8f: {  	_ = 	snop  }
0x90: {  	s2 =	sld [smem:$0x3FC9]  }
0x91: {  	s18 =	sld [smem:$0x3FD0];
	(tm) =	ssettm $0x1  }
0x92: {  	s4 =	sld [smem:$0x3FFB];
	_ =	sdelay $0x3  }
0x93: {  	_ =	strace s4  }
0x94: {  	s4 =	sld [smem:$0x3FFC];
	_ =	sdelay $0x3  }
0x95: {  	_ =	strace s4  }
0x96: {  	s4 =	sld [smem:$0x3FFD];
	_ =	sdelay $0x3  }
0x97: {  	_ =	strace s4  }
0x98: {  	_ =	strace $0x8FFFFFFF  }
0x99: {  	s19 =	sld [smem:$0x3FDB];
	_ =	sdelay $0x1  }
0x9a: {  	s5 =	simm.s32 $_scs_section_size  }
0x9b: {  	s6 =	simm.s32 $_size__tile_overlayer_lowered;
	s7 =	simm.s32 $_tile_overlayer_lowered  }
0x9c: {  	s22 =	simm.s32 $0x1BFF;
	s21 =	sshll.u32 s7, $0x1;
	s4 =	sadd.s32 s5, s19  }
0x9d: {  	s8 =	simm.s32 $0x0;
	s20 =	sshll.u32 s6, $0x1;
	s6 =	sadd.s32 s21, s4  }
0x9e: {  	[timem:s8], [sflag:s22] =	dma.local [hbm:s6], s20  }
0x9f: {  	_ =	swait.ge [sflag:s22], s20  }
0xa0: {  	s5 =	ssub.s32 $0x0, s20;
	[sflag:s22] =	ssyncset.done $0x0  }
0xa1: {  	[sflag:s22] =	ssyncadd.s32 s5;
	_ =	sdelay $0x1  }
0xa2: {  	s23 =	simm.s32 $0x1B8B  }
0xa3: {  	_ =	swait.ge [sflag:s23], $0x1  }
0xa4: {  	[sflag:s23] =	ssyncset.done $0x0  }
0xa5: {  	s25 =	simm.s32 $0x1B8E;
	s24 =	sld [smem:$0x3FFE];
	[sflag:s23] =	ssyncadd.s32 $0xFFFFFFFF  }
0xa6: {  	s26 =	simm.s32 $execute0_lowered;
	[smem:$0x3FD2] =	sst s25  }
0xa7: {  	s6 =	sshll.u32 s26, $0x1;
	_ =	strace $0x80000046;
	[dreg:$0x1] =	wrdreg $0xFFFFFFFF  }
0xa8: {  	s28 =	simm.s32 $_size_execute0_lowered;
	s4 =	sadd.s32 s4, s6;
	[dreg:$0x0] =	wrdreg $0x0  }
0xa9: {  	s6 =	sshll.u32 s28, $0x1;
	[dreg:$0x2] =	wrdreg s4  }
0xaa: {  	[dreg:$0x3] =	wrdreg s6  }
0xab: {  	[dreg:$0x4] =	wrdreg $0xC0  }
0xac: {  	_ =	task [dreg:s8], $0x5FFFF  }
0xad: {  	[dreg:$0x1] =	wrdreg $0xFFFFFFFF  }
0xae: {  	[dreg:$0x0] =	wrdreg $0x60  }
0xaf: {  	[dreg:$0x2] =	wrdreg s2  }
0xb0: {  	[dreg:$0x3] =	wrdreg s24  }
0xb1: {  	[dreg:$0x4] =	wrdreg s18  }
0xb2: {  	[dreg:$0x5] =	wrdreg $0x9  }
0xb3: {  	_ =	task.clear_ibuf [dreg:s8], $0x6FFFF;
	_ =	strace $0x90000046  }
0xb4: {  	s29 =	simm.s32 $0x9;
	_ =	strace $0x80000048  }
0xb5: {  	_ =	swait.ge [sflag:s29], $0x1  }
0xb6: {  	[sflag:s29] =	ssyncadd.s32 $0xFFFFFFFF  }
0xb7: {  	_ =	strace $0x90000048  }
0xb8: {  	_ =	sfence  }
0xb9: {  	s30 =	sld [smem:$0x0];
	_ =	sdelay $0x2  }
0xba: {  	s31 =	sshll.u32 s1, $0xD;
	s1 =	sshrl.u32 s1, $0x2  }
0xbb: {  	s3 =	sand.u32 $0x4000, s31;
	s1 =	sadd.s32 s1, s30  }
0xbc: {  	s0 =	sor.u32 s3, s0;
	s1 =	sshll.u32 s1, $0x11  }
0xbd: {  	s0 =	sor.u32 s1, s0  }
0xbe: {  	s0 =	sadd.s32 $0x8F2B, s0  }
0xbf: {  	[sflag:s0] =	ssyncadd.remote.s32 $0x1  }
0xc0: {  	_ =	sfence.sel $0xFFFF  }
0xc1: {  	[dreg:$0x0] =	wrdreg $0xFFFFFFFF;
	(pc) =	sbr.abs _section_cstart, $3  }
0xc2: {  	[dreg:$0x1] =	wrdreg $0xFFFFFFFF  }
0xc3: {  	_ =	task.clear_ibuf [dreg:s8], $0x2FFFF;
	_ =	strace $0x9FFFFFFF  }
0xc4: {  	(tm) =	ssettm $0x7FFFFFFF  }
0xc5: {  	_ =	shalt  }
tec
execute0_lowered:
.L_overlay_start_1:
0x0: {  	(tag) =	ssettag $0x1  }
0x1: {  	s5 =	rddreg [dreg:$0x0]  }
0x2: {  	s6 =	rddreg [dreg:$0x1]  }
0x3: {  	s7 =	rddreg [dreg:$0x2]  }
0x4: {  	s0 =	rddreg [dreg:$0x3];
	s2 =	simm.s32 $0x0  }
0x5: {  	s3 =	srdreg.scid;
	s1 =	stileid.u32;
	s13 =	simm.s32 $0x8400  }
0x6: {  	s14 =	simm.s32 $0x1;
	s15 =	simm.s32 $0x280;
	s16 =	simm.s32 $0x300  }
0x7: {  	s17 =	simm.s32 $0x380;
	s18 =	simm.s32 $0x2;
	s19 =	simm.s32 $0x0  }
0x8: {  	[smem:$0x7FF] =	sst s2;
	s4 =	sand.u32 $0x1, s3;
	s8 =	sshll.u32 s1, $0x1  }
0x9: {  	s3 =	sadd.s32 $0xF42A00, s6;
	_ =	strace $0x80000047;
	s8 =	sor.u32 s4, s8  }
0xa: {  	s9 =	ssub.s32 $0x2, s4;
	s4 =	sadd.s32 $0x1313400, s6;
	s10 =	sshll.u32 s8, $0xB  }
0xb: {  	s11 =	sshrl.u32 s9, $0x1;
	s31 =	sshll.u32 s8, $0x6;
	s12 =	sadd.s32 s10, s6  }
0xc: {  	s9 =	ssub.s32 s9, s11;
	s5 =	sadd.s32 s5, s31;
	s6 =	sadd.s32 s7, s10  }
0xd: {  	s10 =	simm.s32 $0x80;
	s11 =	simm.s32 $0x200;
	s7 =	sadd.s32 $0x600, s12  }
0xe: {  	s8 =	smax.u32 s9, $0x1;
	s9 =	simm.s32 $0x400;
	s12 =	simm.s32 $0x4400  }
.LBB2_1:
0xf: {  	[tilespmem:s2], [sflag:$0x2] =	stream.linear.gather [hbm4b:s5+s2], $0x200, $0x38;
	[tilespmem:$0xC400] =	vst v63  }
0x10: {  	_ =	swait.ge [sflag:s18], $0x200  }
0x11: {  	[sflag:s18] =	ssyncset.done $0x0  }
0x12: {  	[sflag:s18] =	ssyncadd.s32 $0xFFFFFE00  }
0x13: {  	v0 =	vld [tilespmem:$0x0]  }
0x14: {  	v1 =	vld [tilespmem:$0x10]  }
0x15: {  	v2 =	vld [tilespmem:$0x20]  }
0x16: {  	v3 =	vld [tilespmem:$0x30]  }
0x17: {  	v4 =	vld [tilespmem:$0x40]  }
0x18: {  	v5 =	vld [tilespmem:$0x50];
	v0 =	vshrl.u32 v0, $0x2  }
0x19: {  	v8 =	vld [tilespmem:$0x60];
	v7 =	vshrl.u32 v1, $0x2;
	[tilespmem:$0x200] =	vst v0  }
0x1a: {  	v10 =	vld [tilespmem:$0x70];
	v9 =	vshrl.u32 v2, $0x2;
	[tilespmem:$0x210] =	vst v7  }
0x1b: {  	v12 =	vld [tilespmem:$0x80];
	v11 =	vshrl.u32 v3, $0x2;
	[tilespmem:$0x220] =	vst v9  }
0x1c: {  	v14 =	vld [tilespmem:$0x90];
	v13 =	vshrl.u32 v4, $0x2;
	[tilespmem:$0x230] =	vst v11  }
0x1d: {  	v16 =	vld [tilespmem:$0xA0];
	v15 =	vshrl.u32 v5, $0x2;
	[tilespmem:$0x240] =	vst v13  }
0x1e: {  	v18 =	vld [tilespmem:$0xB0];
	v17 =	vshrl.u32 v8, $0x2;
	[tilespmem:$0x250] =	vst v15  }
0x1f: {  	v20 =	vld [tilespmem:$0xC0];
	v19 =	vshrl.u32 v10, $0x2;
	[tilespmem:$0x260] =	vst v17  }
0x20: {  	v22 =	vld [tilespmem:$0xD0];
	v21 =	vshrl.u32 v12, $0x2;
	[tilespmem:$0x270] =	vst v19  }
0x21: {  	v24 =	vld [tilespmem:$0xE0];
	v23 =	vshrl.u32 v14, $0x2;
	[tilespmem:$0x280] =	vst v21  }
0x22: {  	v26 =	vld [tilespmem:$0xF0];
	v25 =	vshrl.u32 v16, $0x2;
	[tilespmem:$0x290] =	vst v23  }
0x23: {  	v28 =	vld [tilespmem:$0x100];
	v27 =	vshrl.u32 v18, $0x2;
	[tilespmem:$0x2A0] =	vst v25  }
0x24: {  	v30 =	vld [tilespmem:$0x110];
	v29 =	vshrl.u32 v20, $0x2;
	[tilespmem:$0x2B0] =	vst v27  }
0x25: {  	v32 =	vld [tilespmem:$0x120];
	v31 =	vshrl.u32 v22, $0x2;
	[tilespmem:$0x2C0] =	vst v29  }
0x26: {  	v34 =	vld [tilespmem:$0x130];
	v33 =	vshrl.u32 v24, $0x2;
	[tilespmem:$0x2D0] =	vst v31  }
0x27: {  	v36 =	vld [tilespmem:$0x140];
	v35 =	vshrl.u32 v26, $0x2;
	[tilespmem:$0x2E0] =	vst v33  }
0x28: {  	v38 =	vld [tilespmem:$0x150];
	v37 =	vshrl.u32 v28, $0x2;
	[tilespmem:$0x2F0] =	vst v35  }
0x29: {  	v40 =	vld [tilespmem:$0x160];
	v39 =	vshrl.u32 v30, $0x2;
	[tilespmem:$0x300] =	vst v37  }
0x2a: {  	v42 =	vld [tilespmem:$0x170];
	v41 =	vshrl.u32 v32, $0x2;
	[tilespmem:$0x310] =	vst v39  }
0x2b: {  	v44 =	vld [tilespmem:$0x180];
	v43 =	vshrl.u32 v34, $0x2;
	[tilespmem:$0x320] =	vst v41  }
0x2c: {  	v46 =	vld [tilespmem:$0x190];
	v45 =	vshrl.u32 v36, $0x2;
	[tilespmem:$0x330] =	vst v43  }
0x2d: {  	v48 =	vld [tilespmem:$0x1A0];
	v47 =	vshrl.u32 v38, $0x2;
	[tilespmem:$0x340] =	vst v45  }
0x2e: {  	v50 =	vld [tilespmem:$0x1B0];
	v49 =	vshrl.u32 v40, $0x2;
	[tilespmem:$0x350] =	vst v47  }
0x2f: {  	v52 =	vld [tilespmem:$0x1C0];
	v51 =	vshrl.u32 v42, $0x2;
	[tilespmem:$0x360] =	vst v49  }
0x30: {  	v54 =	vld [tilespmem:$0x1D0];
	v53 =	vshrl.u32 v44, $0x2;
	[tilespmem:$0x370] =	vst v51  }
0x31: {  	v56 =	vld [tilespmem:$0x1E0];
	v55 =	vshrl.u32 v46, $0x2;
	[tilespmem:$0x380] =	vst v53  }
0x32: {  	v58 =	vld [tilespmem:$0x1F0];
	v57 =	vshrl.u32 v48, $0x2;
	[tilespmem:$0x390] =	vst v55  }
0x33: {  	v59 =	vshrl.u32 v50, $0x2;
	[tilespmem:$0x3A0] =	vst v57  }
0x34: {  	v60 =	vshrl.u32 v52, $0x2;
	[tilespmem:$0x3B0] =	vst v59  }
0x35: {  	v61 =	vshrl.u32 v54, $0x2;
	[tilespmem:$0x3C0] =	vst v60  }
0x36: {  	v62 =	vshrl.u32 v56, $0x2;
	[tilespmem:$0x3D0] =	vst v61  }
0x37: {  	v63 =	vshrl.u32 v58, $0x2;
	[tilespmem:$0x3E0] =	vst v62  }
0x38: {  	[tilespmem:$0x3F0] =	vst v63  }
0x39: {  	[tilespmem:s9], [sflag:$0x2] =	stream.linear.gather [hbm4b:s6+s2], $0x4000, $0x38;
	[tilespmem:$0xC400] =	vst v63  }
0x3a: {  	_ =	swait.ge [sflag:s18], $0x4000  }
0x3b: {  	[sflag:s18] =	ssyncset.done $0x0  }
0x3c: {  	[sflag:s18] =	ssyncadd.s32 $0xFFFFC000  }
0x3d: {  	[tilespmem:s12], [sflag:$0x1] =	stream.indirect.gather [hbm4b:s3+s10], $0x80, s11, s10, $0xb8;
	[tilespmem:$0xC400] =	vst v63  }
0x3e: {  	_ = 	snop  }
0x3f: {  	[tilespmem:s13], [sflag:$0x1] =	stream.indirect.gather [hbm4b:s4+s10], $0x80, s11, s10, $0xb8;
	[tilespmem:$0xC400] =	vst v63  }
0x40: {  	_ =	swait.ge [sflag:s14], $0x4000  }
0x41: {  	[sflag:s14] =	ssyncset.done $0x0  }
0x42: {  	[sflag:s14] =	ssyncadd.s32 $0xFFFFC000  }
0x43: {  	_ =	swait.ge [sflag:s14], $0x4000  }
0x44: {  	s20 =	simm.s32 $0xFFFFFFFC;
	s21 =	simm.s32 $0x440;
	[sflag:s14] =	ssyncset.done $0x0  }
0x45: {  	s22 =	simm.s32 $0x2;
	s23 =	simm.s32 $0x0;
	[sflag:s14] =	ssyncadd.s32 $0xFFFFC000  }
.LBB2_2:
0x46: {  	v0 =	vld.msk [tilespmem:s22+$0xFFFFFFFE], $0x1;
	_ =	sdelay $0x4  }
0x47: {  	(v2sf) =	vpush v0, $0x0;
	_ =	sdelay $0xe  }
0x48: {  	s24 =	spop (v2sf)  }
0x49: {  	s24 =	sand.u32 $0x3, s24  }
0x4a: {  	s28 =	sshra.s32 s23, $0x2;
	s25 =	sshll.u32 s24, $0x5  }
0x4b: {  	s25 =	sadd.s32 s28, s25  }
0x4c: {  	v38 =	vld [tilespmem:s25+$0x8400];
	_ =	sdelay $0x4  }
0x4d: {  	v0 =	vmul.f32 $5.000000000e-01, v38;
	_ =	sdelay $0x1  }
0x4e: {  	v0 =	vmul.f32 $1.442695020e+00, v0;
	_ =	sdelay $0x1  }
0x4f: {  	(erf) = vpow2.f32 v0;
	_ =	sdelay $0x4  }
0x50: {  	v39 =	vld [tilespmem:s21+$0xFFFFFFC0];
	_ =	sdelay $0x1  }
0x51: {  	v1 =	vld [tilespmem:s25+$0x4400];
	_ =	sdelay $0x1  }
0x52: {  	v2 =	vpop (erf)  }
0x53: {  	v0 =	vmul.f32 v2, v39;
	_ =	sdelay $0x1  }
0x54: {  	v0 =	vadd.f32 v0, v1;
	_ =	sdelay $0x1  }
0x55: {  	[tilespmem:s21+$0xFFFFFFC0] =	vst v0  }
0x56: {  	v0 =	vld [tilespmem:s25+$0x8410];
	_ =	sdelay $0x4  }
0x57: {  	v0 =	vmul.f32 $5.000000000e-01, v0;
	_ =	sdelay $0x1  }
0x58: {  	v0 =	vmul.f32 $1.442695020e+00, v0;
	_ =	sdelay $0x1  }
0x59: {  	(erf) = vpow2.f32 v0;
	_ =	sdelay $0x4  }
0x5a: {  	v40 =	vld [tilespmem:s21+$0xFFFFFFD0];
	_ =	sdelay $0x1  }
0x5b: {  	v41 =	vld [tilespmem:s25+$0x4410];
	_ =	sdelay $0x1  }
0x5c: {  	v42 =	vpop (erf)  }
0x5d: {  	v0 =	vmul.f32 v42, v40;
	_ =	sdelay $0x1  }
0x5e: {  	v0 =	vadd.f32 v0, v41;
	_ =	sdelay $0x1  }
0x5f: {  	[tilespmem:s21+$0xFFFFFFD0] =	vst v0  }
0x60: {  	v0 =	vld.msk [tilespmem:s22+$0xFFFFFFFF], $0x1;
	_ =	sdelay $0x4  }
0x61: {  	(v2sf) =	vpush v0, $0x0;
	_ =	sdelay $0xe  }
0x62: {  	s29 =	spop (v2sf)  }
0x63: {  	s25 =	sand.u32 $0x3, s29  }
0x64: {  	s25 =	sshll.u32 s25, $0x5  }
0x65: {  	s25 =	sadd.s32 s28, s25  }
0x66: {  	v43 =	vld [tilespmem:s25+$0x8480];
	_ =	sdelay $0x4  }
0x67: {  	v0 =	vmul.f32 $5.000000000e-01, v43;
	_ =	sdelay $0x1  }
0x68: {  	v0 =	vmul.f32 $1.442695020e+00, v0;
	_ =	sdelay $0x1  }
0x69: {  	(erf) = vpow2.f32 v0;
	_ =	sdelay $0x4  }
0x6a: {  	v44 =	vld [tilespmem:s21+$0xFFFFFFE0];
	_ =	sdelay $0x1  }
0x6b: {  	v45 =	vld [tilespmem:s25+$0x4480];
	_ =	sdelay $0x1  }
0x6c: {  	v46 =	vpop (erf)  }
0x6d: {  	v0 =	vmul.f32 v46, v44;
	_ =	sdelay $0x1  }
0x6e: {  	v0 =	vadd.f32 v0, v45;
	_ =	sdelay $0x1  }
0x6f: {  	[tilespmem:s21+$0xFFFFFFE0] =	vst v0  }
0x70: {  	v0 =	vld [tilespmem:s25+$0x8490];
	_ =	sdelay $0x4  }
0x71: {  	v0 =	vmul.f32 $5.000000000e-01, v0;
	_ =	sdelay $0x1  }
0x72: {  	v0 =	vmul.f32 $1.442695020e+00, v0;
	_ =	sdelay $0x1  }
0x73: {  	(erf) = vpow2.f32 v0;
	_ =	sdelay $0x4  }
0x74: {  	v47 =	vld [tilespmem:s21+$0xFFFFFFF0];
	_ =	sdelay $0x1  }
0x75: {  	v48 =	vld [tilespmem:s25+$0x4490];
	_ =	sdelay $0x1  }
0x76: {  	v49 =	vpop (erf)  }
0x77: {  	v0 =	vmul.f32 v49, v47;
	_ =	sdelay $0x1  }
0x78: {  	v0 =	vadd.f32 v0, v48;
	_ =	sdelay $0x1  }
0x79: {  	[tilespmem:s21+$0xFFFFFFF0] =	vst v0  }
0x7a: {  	v0 =	vld.msk [tilespmem:s22+$0x0], $0x1;
	_ =	sdelay $0x4  }
0x7b: {  	(v2sf) =	vpush v0, $0x0;
	_ =	sdelay $0xe  }
0x7c: {  	s30 =	spop (v2sf)  }
0x7d: {  	s25 =	sand.u32 $0x3, s30  }
0x7e: {  	s25 =	sshll.u32 s25, $0x5  }
0x7f: {  	s25 =	sadd.s32 s28, s25  }
0x80: {  	v50 =	vld [tilespmem:s25+$0x8500];
	_ =	sdelay $0x4  }
0x81: {  	v0 =	vmul.f32 $5.000000000e-01, v50;
	_ =	sdelay $0x1  }
0x82: {  	v0 =	vmul.f32 $1.442695020e+00, v0;
	_ =	sdelay $0x1  }
0x83: {  	(erf) = vpow2.f32 v0;
	_ =	sdelay $0x4  }
0x84: {  	v51 =	vld [tilespmem:s21+$0x0];
	_ =	sdelay $0x1  }
0x85: {  	v52 =	vld [tilespmem:s25+$0x4500];
	_ =	sdelay $0x1  }
0x86: {  	v53 =	vpop (erf)  }
0x87: {  	v0 =	vmul.f32 v53, v51;
	_ =	sdelay $0x1  }
0x88: {  	v0 =	vadd.f32 v0, v52;
	_ =	sdelay $0x1  }
0x89: {  	[tilespmem:s21+$0x0] =	vst v0  }
0x8a: {  	v0 =	vld [tilespmem:s25+$0x8510];
	_ =	sdelay $0x4  }
0x8b: {  	v0 =	vmul.f32 $5.000000000e-01, v0;
	_ =	sdelay $0x1  }
0x8c: {  	v0 =	vmul.f32 $1.442695020e+00, v0;
	_ =	sdelay $0x1  }
0x8d: {  	(erf) = vpow2.f32 v0;
	_ =	sdelay $0x4  }
0x8e: {  	v54 =	vld [tilespmem:s21+$0x10];
	_ =	sdelay $0x1  }
0x8f: {  	v55 =	vld [tilespmem:s25+$0x4510];
	_ =	sdelay $0x1  }
0x90: {  	v56 =	vpop (erf)  }
0x91: {  	v0 =	vmul.f32 v56, v54;
	_ =	sdelay $0x1  }
0x92: {  	v0 =	vadd.f32 v0, v55;
	_ =	sdelay $0x1  }
0x93: {  	[tilespmem:s21+$0x10] =	vst v0  }
0x94: {  	v0 =	vld.msk [tilespmem:s22+$0x1], $0x1;
	_ =	sdelay $0x4  }
0x95: {  	(v2sf) =	vpush v0, $0x0;
	_ =	sdelay $0xe  }
0x96: {  	s31 =	spop (v2sf)  }
0x97: {  	s25 =	sand.u32 $0x3, s31  }
0x98: {  	s25 =	sshll.u32 s25, $0x5  }
0x99: {  	s24 =	sadd.s32 s28, s25  }
0x9a: {  	v57 =	vld [tilespmem:s24+$0x8580];
	_ =	sdelay $0x4  }
0x9b: {  	v0 =	vmul.f32 $5.000000000e-01, v57;
	_ =	sdelay $0x1  }
0x9c: {  	v0 =	vmul.f32 $1.442695020e+00, v0;
	_ =	sdelay $0x1  }
0x9d: {  	(erf) = vpow2.f32 v0;
	_ =	sdelay $0x4  }
0x9e: {  	v58 =	vld [tilespmem:s21+$0x20];
	_ =	sdelay $0x1  }
0x9f: {  	v59 =	vld [tilespmem:s24+$0x4580];
	_ =	sdelay $0x1  }
0xa0: {  	v60 =	vpop (erf)  }
0xa1: {  	v0 =	vmul.f32 v60, v58;
	_ =	sdelay $0x1  }
0xa2: {  	v0 =	vadd.f32 v0, v59;
	_ =	sdelay $0x1  }
0xa3: {  	[tilespmem:s21+$0x20] =	vst v0  }
0xa4: {  	v0 =	vld [tilespmem:s24+$0x8590];
	_ =	sdelay $0x4  }
0xa5: {  	v0 =	vmul.f32 $5.000000000e-01, v0;
	_ =	sdelay $0x1  }
0xa6: {  	v0 =	vmul.f32 $1.442695020e+00, v0;
	_ =	sdelay $0x1  }
0xa7: {  	(erf) = vpow2.f32 v0;
	_ =	sdelay $0x4  }
0xa8: {  	v61 =	vld [tilespmem:s21+$0x30];
	_ =	sdelay $0x1  }
0xa9: {  	v62 =	vld [tilespmem:s24+$0x4590]  }
0xaa: {  	s20 =	sadd.s32 $0x4, s20  }
0xab: {  	p0 =	slt.u32 s20, $0x7C;
	v63 =	vpop (erf)  }
.Ltmp0:
0xac: {  	v0 =	vmul.f32 v63, v61;
	(pc) =	sbr.rel @p0 .LBB2_2-.Ltmp0, $3  }
0xad: {  	_ = 	snop  }
0xae: {  	v0 =	vadd.f32 v0, v62;
	_ =	sdelay $0x1  }
0xaf: {  	s23 =	sadd.s32 $0x800, s23;
	s22 =	sadd.s32 $0x4, s22;
	[tilespmem:s21+$0x30] =	vst v0;
	s21 =	sadd.s32 $0x80, s21  }
0xb0: {  	[tilespmem:s12], [sflag:$0x1] =	stream.indirect.gather [hbm4b:s3+s10], $0x80, s15, s10, $0xb8;
	[tilespmem:$0xC400] =	vst v63  }
0xb1: {  	_ = 	snop  }
0xb2: {  	[tilespmem:s13], [sflag:$0x1] =	stream.indirect.gather [hbm4b:s4+s10], $0x80, s15, s10, $0xb8;
	[tilespmem:$0xC400] =	vst v63  }
0xb3: {  	_ =	swait.ge [sflag:s14], $0x4000  }
0xb4: {  	[sflag:s14] =	ssyncset.done $0x0  }
0xb5: {  	[sflag:s14] =	ssyncadd.s32 $0xFFFFC000  }
0xb6: {  	_ =	swait.ge [sflag:s14], $0x4000  }
0xb7: {  	s20 =	simm.s32 $0xFFFFFFFC;
	s21 =	simm.s32 $0x83;
	[sflag:s14] =	ssyncset.done $0x0  }
0xb8: {  	s22 =	simm.s32 $0x0;
	s23 =	simm.s32 $0x1470;
	[sflag:s14] =	ssyncadd.s32 $0xFFFFC000  }
.LBB2_4:
0xb9: {  	v0 =	vld.msk [tilespmem:s21+$0xFFFFFFFD], $0x1;
	_ =	sdelay $0x4  }
0xba: {  	(v2sf) =	vpush v0, $0x0;
	_ =	sdelay $0xe  }
0xbb: {  	s24 =	spop (v2sf)  }
0xbc: {  	s24 =	sand.u32 $0x3, s24  }
0xbd: {  	s28 =	sshra.s32 s22, $0x2;
	s25 =	sshll.u32 s24, $0x5  }
0xbe: {  	s25 =	sadd.s32 s28, s25  }
0xbf: {  	v38 =	vld [tilespmem:s25+$0x8400];
	_ =	sdelay $0x4  }
0xc0: {  	v0 =	vmul.f32 $5.000000000e-01, v38;
	_ =	sdelay $0x1  }
0xc1: {  	v0 =	vmul.f32 $1.442695020e+00, v0;
	_ =	sdelay $0x1  }
0xc2: {  	(erf) = vpow2.f32 v0;
	_ =	sdelay $0x4  }
0xc3: {  	v39 =	vld [tilespmem:s23+$0xFFFFFF90];
	_ =	sdelay $0x1  }
0xc4: {  	v1 =	vld [tilespmem:s25+$0x4400];
	_ =	sdelay $0x1  }
0xc5: {  	v2 =	vpop (erf)  }
0xc6: {  	v0 =	vmul.f32 v2, v39;
	_ =	sdelay $0x1  }
0xc7: {  	v0 =	vadd.f32 v0, v1;
	_ =	sdelay $0x1  }
0xc8: {  	[tilespmem:s23+$0xFFFFFF90] =	vst v0  }
0xc9: {  	v0 =	vld [tilespmem:s25+$0x8410];
	_ =	sdelay $0x4  }
0xca: {  	v0 =	vmul.f32 $5.000000000e-01, v0;
	_ =	sdelay $0x1  }
0xcb: {  	v0 =	vmul.f32 $1.442695020e+00, v0;
	_ =	sdelay $0x1  }
0xcc: {  	(erf) = vpow2.f32 v0;
	_ =	sdelay $0x4  }
0xcd: {  	v40 =	vld [tilespmem:s23+$0xFFFFFFA0];
	_ =	sdelay $0x1  }
0xce: {  	v41 =	vld [tilespmem:s25+$0x4410];
	_ =	sdelay $0x1  }
0xcf: {  	v42 =	vpop (erf)  }
0xd0: {  	v0 =	vmul.f32 v42, v40;
	_ =	sdelay $0x1  }
0xd1: {  	v0 =	vadd.f32 v0, v41;
	_ =	sdelay $0x1  }
0xd2: {  	[tilespmem:s23+$0xFFFFFFA0] =	vst v0  }
0xd3: {  	v0 =	vld.msk [tilespmem:s21+$0xFFFFFFFE], $0x1;
	_ =	sdelay $0x4  }
0xd4: {  	(v2sf) =	vpush v0, $0x0;
	_ =	sdelay $0xe  }
0xd5: {  	s29 =	spop (v2sf)  }
0xd6: {  	s25 =	sand.u32 $0x3, s29  }
0xd7: {  	s25 =	sshll.u32 s25, $0x5  }
0xd8: {  	s25 =	sadd.s32 s28, s25  }
0xd9: {  	v43 =	vld [tilespmem:s25+$0x8480];
	_ =	sdelay $0x4  }
0xda: {  	v0 =	vmul.f32 $5.000000000e-01, v43;
	_ =	sdelay $0x1  }
0xdb: {  	v0 =	vmul.f32 $1.442695020e+00, v0;
	_ =	sdelay $0x1  }
0xdc: {  	(erf) = vpow2.f32 v0;
	_ =	sdelay $0x4  }
0xdd: {  	v44 =	vld [tilespmem:s23+$0xFFFFFFB0];
	_ =	sdelay $0x1  }
0xde: {  	v45 =	vld [tilespmem:s25+$0x4480];
	_ =	sdelay $0x1  }
0xdf: {  	v46 =	vpop (erf)  }
0xe0: {  	v0 =	vmul.f32 v46, v44;
	_ =	sdelay $0x1  }
0xe1: {  	v0 =	vadd.f32 v0, v45;
	_ =	sdelay $0x1  }
0xe2: {  	[tilespmem:s23+$0xFFFFFFB0] =	vst v0  }
0xe3: {  	v0 =	vld [tilespmem:s25+$0x8490];
	_ =	sdelay $0x4  }
0xe4: {  	v0 =	vmul.f32 $5.000000000e-01, v0;
	_ =	sdelay $0x1  }
0xe5: {  	v0 =	vmul.f32 $1.442695020e+00, v0;
	_ =	sdelay $0x1  }
0xe6: {  	(erf) = vpow2.f32 v0;
	_ =	sdelay $0x4  }
0xe7: {  	v47 =	vld [tilespmem:s23+$0xFFFFFFC0];
	_ =	sdelay $0x1  }
0xe8: {  	v48 =	vld [tilespmem:s25+$0x4490];
	_ =	sdelay $0x1  }
0xe9: {  	v49 =	vpop (erf)  }
0xea: {  	v0 =	vmul.f32 v49, v47;
	_ =	sdelay $0x1  }
0xeb: {  	v0 =	vadd.f32 v0, v48;
	_ =	sdelay $0x1  }
0xec: {  	[tilespmem:s23+$0xFFFFFFC0] =	vst v0  }
0xed: {  	v0 =	vld.msk [tilespmem:s21+$0xFFFFFFFF], $0x1;
	_ =	sdelay $0x4  }
0xee: {  	(v2sf) =	vpush v0, $0x0;
	_ =	sdelay $0xe  }
0xef: {  	s30 =	spop (v2sf)  }
0xf0: {  	s25 =	sand.u32 $0x3, s30  }
0xf1: {  	s25 =	sshll.u32 s25, $0x5  }
0xf2: {  	s25 =	sadd.s32 s28, s25  }
0xf3: {  	v50 =	vld [tilespmem:s25+$0x8500];
	_ =	sdelay $0x4  }
0xf4: {  	v0 =	vmul.f32 $5.000000000e-01, v50;
	_ =	sdelay $0x1  }
0xf5: {  	v0 =	vmul.f32 $1.442695020e+00, v0;
	_ =	sdelay $0x1  }
0xf6: {  	(erf) = vpow2.f32 v0;
	_ =	sdelay $0x4  }
0xf7: {  	v51 =	vld [tilespmem:s23+$0xFFFFFFD0];
	_ =	sdelay $0x1  }
0xf8: {  	v52 =	vld [tilespmem:s25+$0x4500];
	_ =	sdelay $0x1  }
0xf9: {  	v53 =	vpop (erf)  }
0xfa: {  	v0 =	vmul.f32 v53, v51;
	_ =	sdelay $0x1  }
0xfb: {  	v0 =	vadd.f32 v0, v52;
	_ =	sdelay $0x1  }
0xfc: {  	[tilespmem:s23+$0xFFFFFFD0] =	vst v0  }
0xfd: {  	v0 =	vld [tilespmem:s25+$0x8510];
	_ =	sdelay $0x4  }
0xfe: {  	v0 =	vmul.f32 $5.000000000e-01, v0;
	_ =	sdelay $0x1  }
0xff: {  	v0 =	vmul.f32 $1.442695020e+00, v0;
	_ =	sdelay $0x1  }
0x100: {  	(erf) = vpow2.f32 v0;
	_ =	sdelay $0x4  }
0x101: {  	v54 =	vld [tilespmem:s23+$0xFFFFFFE0];
	_ =	sdelay $0x1  }
0x102: {  	v55 =	vld [tilespmem:s25+$0x4510];
	_ =	sdelay $0x1  }
0x103: {  	v56 =	vpop (erf)  }
0x104: {  	v0 =	vmul.f32 v56, v54;
	_ =	sdelay $0x1  }
0x105: {  	v0 =	vadd.f32 v0, v55;
	_ =	sdelay $0x1  }
0x106: {  	[tilespmem:s23+$0xFFFFFFE0] =	vst v0  }
0x107: {  	v0 =	vld.msk [tilespmem:s21+$0x0], $0x1;
	_ =	sdelay $0x4  }
0x108: {  	(v2sf) =	vpush v0, $0x0;
	_ =	sdelay $0xe  }
0x109: {  	s31 =	spop (v2sf)  }
0x10a: {  	s25 =	sand.u32 $0x3, s31  }
0x10b: {  	s25 =	sshll.u32 s25, $0x5  }
0x10c: {  	s24 =	sadd.s32 s28, s25  }
0x10d: {  	v57 =	vld [tilespmem:s24+$0x8580];
	_ =	sdelay $0x4  }
0x10e: {  	v0 =	vmul.f32 $5.000000000e-01, v57;
	_ =	sdelay $0x1  }
0x10f: {  	v0 =	vmul.f32 $1.442695020e+00, v0;
	_ =	sdelay $0x1  }
0x110: {  	(erf) = vpow2.f32 v0;
	_ =	sdelay $0x4  }
0x111: {  	v58 =	vld [tilespmem:s23+$0xFFFFFFF0];
	_ =	sdelay $0x1  }
0x112: {  	v59 =	vld [tilespmem:s24+$0x4580];
	_ =	sdelay $0x1  }
0x113: {  	v60 =	vpop (erf)  }
0x114: {  	v0 =	vmul.f32 v60, v58;
	_ =	sdelay $0x1  }
0x115: {  	v0 =	vadd.f32 v0, v59;
	_ =	sdelay $0x1  }
0x116: {  	[tilespmem:s23+$0xFFFFFFF0] =	vst v0  }
0x117: {  	v0 =	vld [tilespmem:s24+$0x8590];
	_ =	sdelay $0x4  }
0x118: {  	v0 =	vmul.f32 $5.000000000e-01, v0;
	_ =	sdelay $0x1  }
0x119: {  	v0 =	vmul.f32 $1.442695020e+00, v0;
	_ =	sdelay $0x1  }
0x11a: {  	(erf) = vpow2.f32 v0;
	_ =	sdelay $0x4  }
0x11b: {  	v61 =	vld [tilespmem:s23+$0x0];
	_ =	sdelay $0x1  }
0x11c: {  	v62 =	vld [tilespmem:s24+$0x4590]  }
0x11d: {  	s20 =	sadd.s32 $0x4, s20  }
0x11e: {  	p0 =	slt.u32 s20, $0x7C;
	v63 =	vpop (erf)  }
.Ltmp1:
0x11f: {  	v0 =	vmul.f32 v63, v61;
	(pc) =	sbr.rel @p0 .LBB2_4-.Ltmp1, $3  }
0x120: {  	_ = 	snop  }
0x121: {  	v0 =	vadd.f32 v0, v62;
	_ =	sdelay $0x1  }
0x122: {  	s22 =	sadd.s32 $0x800, s22;
	s21 =	sadd.s32 $0x4, s21;
	[tilespmem:s23+$0x0] =	vst v0;
	s23 =	sadd.s32 $0x80, s23  }
0x123: {  	[tilespmem:s12], [sflag:$0x1] =	stream.indirect.gather [hbm4b:s3+s10], $0x80, s16, s10, $0xb8;
	[tilespmem:$0xC400] =	vst v63  }
0x124: {  	_ = 	snop  }
0x125: {  	[tilespmem:s13], [sflag:$0x1] =	stream.indirect.gather [hbm4b:s4+s10], $0x80, s16, s10, $0xb8;
	[tilespmem:$0xC400] =	vst v63  }
0x126: {  	_ =	swait.ge [sflag:s14], $0x4000  }
0x127: {  	[sflag:s14] =	ssyncset.done $0x0  }
0x128: {  	[sflag:s14] =	ssyncadd.s32 $0xFFFFC000  }
0x129: {  	_ =	swait.ge [sflag:s14], $0x4000  }
0x12a: {  	s20 =	simm.s32 $0xFFFFFFFC;
	s21 =	simm.s32 $0x103;
	[sflag:s14] =	ssyncset.done $0x0  }
0x12b: {  	s22 =	simm.s32 $0x0;
	s23 =	simm.s32 $0x2470;
	[sflag:s14] =	ssyncadd.s32 $0xFFFFC000  }
.LBB2_6:
0x12c: {  	v0 =	vld.msk [tilespmem:s21+$0xFFFFFFFD], $0x1;
	_ =	sdelay $0x4  }
0x12d: {  	(v2sf) =	vpush v0, $0x0;
	_ =	sdelay $0xe  }
0x12e: {  	s24 =	spop (v2sf)  }
0x12f: {  	s24 =	sand.u32 $0x3, s24  }
0x130: {  	s28 =	sshra.s32 s22, $0x2;
	s25 =	sshll.u32 s24, $0x5  }
0x131: {  	s25 =	sadd.s32 s28, s25  }
0x132: {  	v38 =	vld [tilespmem:s25+$0x8400];
	_ =	sdelay $0x4  }
0x133: {  	v0 =	vmul.f32 $5.000000000e-01, v38;
	_ =	sdelay $0x1  }
0x134: {  	v0 =	vmul.f32 $1.442695020e+00, v0;
	_ =	sdelay $0x1  }
0x135: {  	(erf) = vpow2.f32 v0;
	_ =	sdelay $0x4  }
0x136: {  	v39 =	vld [tilespmem:s23+$0xFFFFFF90];
	_ =	sdelay $0x1  }
0x137: {  	v1 =	vld [tilespmem:s25+$0x4400];
	_ =	sdelay $0x1  }
0x138: {  	v2 =	vpop (erf)  }
0x139: {  	v0 =	vmul.f32 v2, v39;
	_ =	sdelay $0x1  }
0x13a: {  	v0 =	vadd.f32 v0, v1;
	_ =	sdelay $0x1  }
0x13b: {  	[tilespmem:s23+$0xFFFFFF90] =	vst v0  }
0x13c: {  	v0 =	vld [tilespmem:s25+$0x8410];
	_ =	sdelay $0x4  }
0x13d: {  	v0 =	vmul.f32 $5.000000000e-01, v0;
	_ =	sdelay $0x1  }
0x13e: {  	v0 =	vmul.f32 $1.442695020e+00, v0;
	_ =	sdelay $0x1  }
0x13f: {  	(erf) = vpow2.f32 v0;
	_ =	sdelay $0x4  }
0x140: {  	v40 =	vld [tilespmem:s23+$0xFFFFFFA0];
	_ =	sdelay $0x1  }
0x141: {  	v41 =	vld [tilespmem:s25+$0x4410];
	_ =	sdelay $0x1  }
0x142: {  	v42 =	vpop (erf)  }
0x143: {  	v0 =	vmul.f32 v42, v40;
	_ =	sdelay $0x1  }
0x144: {  	v0 =	vadd.f32 v0, v41;
	_ =	sdelay $0x1  }
0x145: {  	[tilespmem:s23+$0xFFFFFFA0] =	vst v0  }
0x146: {  	v0 =	vld.msk [tilespmem:s21+$0xFFFFFFFE], $0x1;
	_ =	sdelay $0x4  }
0x147: {  	(v2sf) =	vpush v0, $0x0;
	_ =	sdelay $0xe  }
0x148: {  	s29 =	spop (v2sf)  }
0x149: {  	s25 =	sand.u32 $0x3, s29  }
0x14a: {  	s25 =	sshll.u32 s25, $0x5  }
0x14b: {  	s25 =	sadd.s32 s28, s25  }
0x14c: {  	v43 =	vld [tilespmem:s25+$0x8480];
	_ =	sdelay $0x4  }
0x14d: {  	v0 =	vmul.f32 $5.000000000e-01, v43;
	_ =	sdelay $0x1  }
0x14e: {  	v0 =	vmul.f32 $1.442695020e+00, v0;
	_ =	sdelay $0x1  }
0x14f: {  	(erf) = vpow2.f32 v0;
	_ =	sdelay $0x4  }
0x150: {  	v44 =	vld [tilespmem:s23+$0xFFFFFFB0];
	_ =	sdelay $0x1  }
0x151: {  	v45 =	vld [tilespmem:s25+$0x4480];
	_ =	sdelay $0x1  }
0x152: {  	v46 =	vpop (erf)  }
0x153: {  	v0 =	vmul.f32 v46, v44;
	_ =	sdelay $0x1  }
0x154: {  	v0 =	vadd.f32 v0, v45;
	_ =	sdelay $0x1  }
0x155: {  	[tilespmem:s23+$0xFFFFFFB0] =	vst v0  }
0x156: {  	v0 =	vld [tilespmem:s25+$0x8490];
	_ =	sdelay $0x4  }
0x157: {  	v0 =	vmul.f32 $5.000000000e-01, v0;
	_ =	sdelay $0x1  }
0x158: {  	v0 =	vmul.f32 $1.442695020e+00, v0;
	_ =	sdelay $0x1  }
0x159: {  	(erf) = vpow2.f32 v0;
	_ =	sdelay $0x4  }
0x15a: {  	v47 =	vld [tilespmem:s23+$0xFFFFFFC0];
	_ =	sdelay $0x1  }
0x15b: {  	v48 =	vld [tilespmem:s25+$0x4490];
	_ =	sdelay $0x1  }
0x15c: {  	v49 =	vpop (erf)  }
0x15d: {  	v0 =	vmul.f32 v49, v47;
	_ =	sdelay $0x1  }
0x15e: {  	v0 =	vadd.f32 v0, v48;
	_ =	sdelay $0x1  }
0x15f: {  	[tilespmem:s23+$0xFFFFFFC0] =	vst v0  }
0x160: {  	v0 =	vld.msk [tilespmem:s21+$0xFFFFFFFF], $0x1;
	_ =	sdelay $0x4  }
0x161: {  	(v2sf) =	vpush v0, $0x0;
	_ =	sdelay $0xe  }
0x162: {  	s30 =	spop (v2sf)  }
0x163: {  	s25 =	sand.u32 $0x3, s30  }
0x164: {  	s25 =	sshll.u32 s25, $0x5  }
0x165: {  	s25 =	sadd.s32 s28, s25  }
0x166: {  	v50 =	vld [tilespmem:s25+$0x8500];
	_ =	sdelay $0x4  }
0x167: {  	v0 =	vmul.f32 $5.000000000e-01, v50;
	_ =	sdelay $0x1  }
0x168: {  	v0 =	vmul.f32 $1.442695020e+00, v0;
	_ =	sdelay $0x1  }
0x169: {  	(erf) = vpow2.f32 v0;
	_ =	sdelay $0x4  }
0x16a: {  	v51 =	vld [tilespmem:s23+$0xFFFFFFD0];
	_ =	sdelay $0x1  }
0x16b: {  	v52 =	vld [tilespmem:s25+$0x4500];
	_ =	sdelay $0x1  }
0x16c: {  	v53 =	vpop (erf)  }
0x16d: {  	v0 =	vmul.f32 v53, v51;
	_ =	sdelay $0x1  }
0x16e: {  	v0 =	vadd.f32 v0, v52;
	_ =	sdelay $0x1  }
0x16f: {  	[tilespmem:s23+$0xFFFFFFD0] =	vst v0  }
0x170: {  	v0 =	vld [tilespmem:s25+$0x8510];
	_ =	sdelay $0x4  }
0x171: {  	v0 =	vmul.f32 $5.000000000e-01, v0;
	_ =	sdelay $0x1  }
0x172: {  	v0 =	vmul.f32 $1.442695020e+00, v0;
	_ =	sdelay $0x1  }
0x173: {  	(erf) = vpow2.f32 v0;
	_ =	sdelay $0x4  }
0x174: {  	v54 =	vld [tilespmem:s23+$0xFFFFFFE0];
	_ =	sdelay $0x1  }
0x175: {  	v55 =	vld [tilespmem:s25+$0x4510];
	_ =	sdelay $0x1  }
0x176: {  	v56 =	vpop (erf)  }
0x177: {  	v0 =	vmul.f32 v56, v54;
	_ =	sdelay $0x1  }
0x178: {  	v0 =	vadd.f32 v0, v55;
	_ =	sdelay $0x1  }
0x179: {  	[tilespmem:s23+$0xFFFFFFE0] =	vst v0  }
0x17a: {  	v0 =	vld.msk [tilespmem:s21+$0x0], $0x1;
	_ =	sdelay $0x4  }
0x17b: {  	(v2sf) =	vpush v0, $0x0;
	_ =	sdelay $0xe  }
0x17c: {  	s31 =	spop (v2sf)  }
0x17d: {  	s25 =	sand.u32 $0x3, s31  }
0x17e: {  	s25 =	sshll.u32 s25, $0x5  }
0x17f: {  	s24 =	sadd.s32 s28, s25  }
0x180: {  	v57 =	vld [tilespmem:s24+$0x8580];
	_ =	sdelay $0x4  }
0x181: {  	v0 =	vmul.f32 $5.000000000e-01, v57;
	_ =	sdelay $0x1  }
0x182: {  	v0 =	vmul.f32 $1.442695020e+00, v0;
	_ =	sdelay $0x1  }
0x183: {  	(erf) = vpow2.f32 v0;
	_ =	sdelay $0x4  }
0x184: {  	v58 =	vld [tilespmem:s23+$0xFFFFFFF0];
	_ =	sdelay $0x1  }
0x185: {  	v59 =	vld [tilespmem:s24+$0x4580];
	_ =	sdelay $0x1  }
0x186: {  	v60 =	vpop (erf)  }
0x187: {  	v0 =	vmul.f32 v60, v58;
	_ =	sdelay $0x1  }
0x188: {  	v0 =	vadd.f32 v0, v59;
	_ =	sdelay $0x1  }
0x189: {  	[tilespmem:s23+$0xFFFFFFF0] =	vst v0  }
0x18a: {  	v0 =	vld [tilespmem:s24+$0x8590];
	_ =	sdelay $0x4  }
0x18b: {  	v0 =	vmul.f32 $5.000000000e-01, v0;
	_ =	sdelay $0x1  }
0x18c: {  	v0 =	vmul.f32 $1.442695020e+00, v0;
	_ =	sdelay $0x1  }
0x18d: {  	(erf) = vpow2.f32 v0;
	_ =	sdelay $0x4  }
0x18e: {  	v61 =	vld [tilespmem:s23+$0x0];
	_ =	sdelay $0x1  }
0x18f: {  	v62 =	vld [tilespmem:s24+$0x4590]  }
0x190: {  	s20 =	sadd.s32 $0x4, s20  }
0x191: {  	p0 =	slt.u32 s20, $0x7C;
	v63 =	vpop (erf)  }
.Ltmp2:
0x192: {  	v0 =	vmul.f32 v63, v61;
	(pc) =	sbr.rel @p0 .LBB2_6-.Ltmp2, $3  }
0x193: {  	_ = 	snop  }
0x194: {  	v0 =	vadd.f32 v0, v62;
	_ =	sdelay $0x1  }
0x195: {  	s22 =	sadd.s32 $0x800, s22;
	s21 =	sadd.s32 $0x4, s21;
	[tilespmem:s23+$0x0] =	vst v0;
	s23 =	sadd.s32 $0x80, s23  }
0x196: {  	[tilespmem:s12], [sflag:$0x1] =	stream.indirect.gather [hbm4b:s3+s10], $0x80, s17, s10, $0xb8;
	[tilespmem:$0xC400] =	vst v63  }
0x197: {  	_ = 	snop  }
0x198: {  	[tilespmem:s13], [sflag:$0x1] =	stream.indirect.gather [hbm4b:s4+s10], $0x80, s17, s10, $0xb8;
	[tilespmem:$0xC400] =	vst v63  }
0x199: {  	_ =	swait.ge [sflag:s14], $0x4000  }
0x19a: {  	[sflag:s14] =	ssyncset.done $0x0  }
0x19b: {  	[sflag:s14] =	ssyncadd.s32 $0xFFFFC000  }
0x19c: {  	_ =	swait.ge [sflag:s14], $0x4000  }
0x19d: {  	s20 =	simm.s32 $0xFFFFFFFC;
	s21 =	simm.s32 $0x183;
	[sflag:s14] =	ssyncset.done $0x0  }
0x19e: {  	s22 =	simm.s32 $0x0;
	s23 =	simm.s32 $0x3470;
	[sflag:s14] =	ssyncadd.s32 $0xFFFFC000  }
.LBB2_8:
0x19f: {  	v0 =	vld.msk [tilespmem:s21+$0xFFFFFFFD], $0x1;
	_ =	sdelay $0x4  }
0x1a0: {  	(v2sf) =	vpush v0, $0x0;
	_ =	sdelay $0xe  }
0x1a1: {  	s24 =	spop (v2sf)  }
0x1a2: {  	s24 =	sand.u32 $0x3, s24  }
0x1a3: {  	s28 =	sshra.s32 s22, $0x2;
	s25 =	sshll.u32 s24, $0x5  }
0x1a4: {  	s25 =	sadd.s32 s28, s25  }
0x1a5: {  	v38 =	vld [tilespmem:s25+$0x8400];
	_ =	sdelay $0x4  }
0x1a6: {  	v0 =	vmul.f32 $5.000000000e-01, v38;
	_ =	sdelay $0x1  }
0x1a7: {  	v0 =	vmul.f32 $1.442695020e+00, v0;
	_ =	sdelay $0x1  }
0x1a8: {  	(erf) = vpow2.f32 v0;
	_ =	sdelay $0x4  }
0x1a9: {  	v39 =	vld [tilespmem:s23+$0xFFFFFF90];
	_ =	sdelay $0x1  }
0x1aa: {  	v1 =	vld [tilespmem:s25+$0x4400];
	_ =	sdelay $0x1  }
0x1ab: {  	v2 =	vpop (erf)  }
0x1ac: {  	v0 =	vmul.f32 v2, v39;
	_ =	sdelay $0x1  }
0x1ad: {  	v0 =	vadd.f32 v0, v1;
	_ =	sdelay $0x1  }
0x1ae: {  	[tilespmem:s23+$0xFFFFFF90] =	vst v0  }
0x1af: {  	v0 =	vld [tilespmem:s25+$0x8410];
	_ =	sdelay $0x4  }
0x1b0: {  	v0 =	vmul.f32 $5.000000000e-01, v0;
	_ =	sdelay $0x1  }
0x1b1: {  	v0 =	vmul.f32 $1.442695020e+00, v0;
	_ =	sdelay $0x1  }
0x1b2: {  	(erf) = vpow2.f32 v0;
	_ =	sdelay $0x4  }
0x1b3: {  	v40 =	vld [tilespmem:s23+$0xFFFFFFA0];
	_ =	sdelay $0x1  }
0x1b4: {  	v41 =	vld [tilespmem:s25+$0x4410];
	_ =	sdelay $0x1  }
0x1b5: {  	v42 =	vpop (erf)  }
0x1b6: {  	v0 =	vmul.f32 v42, v40;
	_ =	sdelay $0x1  }
0x1b7: {  	v0 =	vadd.f32 v0, v41;
	_ =	sdelay $0x1  }
0x1b8: {  	[tilespmem:s23+$0xFFFFFFA0] =	vst v0  }
0x1b9: {  	v0 =	vld.msk [tilespmem:s21+$0xFFFFFFFE], $0x1;
	_ =	sdelay $0x4  }
0x1ba: {  	(v2sf) =	vpush v0, $0x0;
	_ =	sdelay $0xe  }
0x1bb: {  	s29 =	spop (v2sf)  }
0x1bc: {  	s25 =	sand.u32 $0x3, s29  }
0x1bd: {  	s25 =	sshll.u32 s25, $0x5  }
0x1be: {  	s25 =	sadd.s32 s28, s25  }
0x1bf: {  	v43 =	vld [tilespmem:s25+$0x8480];
	_ =	sdelay $0x4  }
0x1c0: {  	v0 =	vmul.f32 $5.000000000e-01, v43;
	_ =	sdelay $0x1  }
0x1c1: {  	v0 =	vmul.f32 $1.442695020e+00, v0;
	_ =	sdelay $0x1  }
0x1c2: {  	(erf) = vpow2.f32 v0;
	_ =	sdelay $0x4  }
0x1c3: {  	v44 =	vld [tilespmem:s23+$0xFFFFFFB0];
	_ =	sdelay $0x1  }
0x1c4: {  	v45 =	vld [tilespmem:s25+$0x4480];
	_ =	sdelay $0x1  }
0x1c5: {  	v46 =	vpop (erf)  }
0x1c6: {  	v0 =	vmul.f32 v46, v44;
	_ =	sdelay $0x1  }
0x1c7: {  	v0 =	vadd.f32 v0, v45;
	_ =	sdelay $0x1  }
0x1c8: {  	[tilespmem:s23+$0xFFFFFFB0] =	vst v0  }
0x1c9: {  	v0 =	vld [tilespmem:s25+$0x8490];
	_ =	sdelay $0x4  }
0x1ca: {  	v0 =	vmul.f32 $5.000000000e-01, v0;
	_ =	sdelay $0x1  }
0x1cb: {  	v0 =	vmul.f32 $1.442695020e+00, v0;
	_ =	sdelay $0x1  }
0x1cc: {  	(erf) = vpow2.f32 v0;
	_ =	sdelay $0x4  }
0x1cd: {  	v47 =	vld [tilespmem:s23+$0xFFFFFFC0];
	_ =	sdelay $0x1  }
0x1ce: {  	v48 =	vld [tilespmem:s25+$0x4490];
	_ =	sdelay $0x1  }
0x1cf: {  	v49 =	vpop (erf)  }
0x1d0: {  	v0 =	vmul.f32 v49, v47;
	_ =	sdelay $0x1  }
0x1d1: {  	v0 =	vadd.f32 v0, v48;
	_ =	sdelay $0x1  }
0x1d2: {  	[tilespmem:s23+$0xFFFFFFC0] =	vst v0  }
0x1d3: {  	v0 =	vld.msk [tilespmem:s21+$0xFFFFFFFF], $0x1;
	_ =	sdelay $0x4  }
0x1d4: {  	(v2sf) =	vpush v0, $0x0;
	_ =	sdelay $0xe  }
0x1d5: {  	s30 =	spop (v2sf)  }
0x1d6: {  	s25 =	sand.u32 $0x3, s30  }
0x1d7: {  	s25 =	sshll.u32 s25, $0x5  }
0x1d8: {  	s25 =	sadd.s32 s28, s25  }
0x1d9: {  	v50 =	vld [tilespmem:s25+$0x8500];
	_ =	sdelay $0x4  }
0x1da: {  	v0 =	vmul.f32 $5.000000000e-01, v50;
	_ =	sdelay $0x1  }
0x1db: {  	v0 =	vmul.f32 $1.442695020e+00, v0;
	_ =	sdelay $0x1  }
0x1dc: {  	(erf) = vpow2.f32 v0;
	_ =	sdelay $0x4  }
0x1dd: {  	v51 =	vld [tilespmem:s23+$0xFFFFFFD0];
	_ =	sdelay $0x1  }
0x1de: {  	v52 =	vld [tilespmem:s25+$0x4500];
	_ =	sdelay $0x1  }
0x1df: {  	v53 =	vpop (erf)  }
0x1e0: {  	v0 =	vmul.f32 v53, v51;
	_ =	sdelay $0x1  }
0x1e1: {  	v0 =	vadd.f32 v0, v52;
	_ =	sdelay $0x1  }
0x1e2: {  	[tilespmem:s23+$0xFFFFFFD0] =	vst v0  }
0x1e3: {  	v0 =	vld [tilespmem:s25+$0x8510];
	_ =	sdelay $0x4  }
0x1e4: {  	v0 =	vmul.f32 $5.000000000e-01, v0;
	_ =	sdelay $0x1  }
0x1e5: {  	v0 =	vmul.f32 $1.442695020e+00, v0;
	_ =	sdelay $0x1  }
0x1e6: {  	(erf) = vpow2.f32 v0;
	_ =	sdelay $0x4  }
0x1e7: {  	v54 =	vld [tilespmem:s23+$0xFFFFFFE0];
	_ =	sdelay $0x1  }
0x1e8: {  	v55 =	vld [tilespmem:s25+$0x4510];
	_ =	sdelay $0x1  }
0x1e9: {  	v56 =	vpop (erf)  }
0x1ea: {  	v0 =	vmul.f32 v56, v54;
	_ =	sdelay $0x1  }
0x1eb: {  	v0 =	vadd.f32 v0, v55;
	_ =	sdelay $0x1  }
0x1ec: {  	[tilespmem:s23+$0xFFFFFFE0] =	vst v0  }
0x1ed: {  	v0 =	vld.msk [tilespmem:s21+$0x0], $0x1;
	_ =	sdelay $0x4  }
0x1ee: {  	(v2sf) =	vpush v0, $0x0;
	_ =	sdelay $0xe  }
0x1ef: {  	s31 =	spop (v2sf)  }
0x1f0: {  	s25 =	sand.u32 $0x3, s31  }
0x1f1: {  	s25 =	sshll.u32 s25, $0x5  }
0x1f2: {  	s24 =	sadd.s32 s28, s25  }
0x1f3: {  	v57 =	vld [tilespmem:s24+$0x8580];
	_ =	sdelay $0x4  }
0x1f4: {  	v0 =	vmul.f32 $5.000000000e-01, v57;
	_ =	sdelay $0x1  }
0x1f5: {  	v0 =	vmul.f32 $1.442695020e+00, v0;
	_ =	sdelay $0x1  }
0x1f6: {  	(erf) = vpow2.f32 v0;
	_ =	sdelay $0x4  }
0x1f7: {  	v58 =	vld [tilespmem:s23+$0xFFFFFFF0];
	_ =	sdelay $0x1  }
0x1f8: {  	v59 =	vld [tilespmem:s24+$0x4580];
	_ =	sdelay $0x1  }
0x1f9: {  	v60 =	vpop (erf)  }
0x1fa: {  	v0 =	vmul.f32 v60, v58;
	_ =	sdelay $0x1  }
0x1fb: {  	v0 =	vadd.f32 v0, v59;
	_ =	sdelay $0x1  }
0x1fc: {  	[tilespmem:s23+$0xFFFFFFF0] =	vst v0  }
0x1fd: {  	v0 =	vld [tilespmem:s24+$0x8590];
	_ =	sdelay $0x4  }
0x1fe: {  	v0 =	vmul.f32 $5.000000000e-01, v0;
	_ =	sdelay $0x1  }
0x1ff: {  	v0 =	vmul.f32 $1.442695020e+00, v0;
	_ =	sdelay $0x1  }
0x200: {  	(erf) = vpow2.f32 v0;
	_ =	sdelay $0x4  }
0x201: {  	v61 =	vld [tilespmem:s23+$0x0];
	_ =	sdelay $0x1  }
0x202: {  	v62 =	vld [tilespmem:s24+$0x4590]  }
0x203: {  	s20 =	sadd.s32 $0x4, s20  }
0x204: {  	p0 =	slt.u32 s20, $0x7C;
	v63 =	vpop (erf)  }
.Ltmp3:
0x205: {  	v0 =	vmul.f32 v63, v61;
	(pc) =	sbr.rel @p0 .LBB2_8-.Ltmp3, $3  }
0x206: {  	_ = 	snop  }
0x207: {  	v0 =	vadd.f32 v0, v62;
	_ =	sdelay $0x1  }
0x208: {  	s22 =	sadd.s32 $0x800, s22;
	s21 =	sadd.s32 $0x4, s21;
	[tilespmem:s23+$0x0] =	vst v0;
	s23 =	sadd.s32 $0x80, s23  }
0x209: {  	s19 =	sadd.s32 $0x1, s19  }
0x20a: {  	p0 =	sne.s32 s19, s8  }
.Ltmp4:
0x20b: {  	_ = 	snop;
	(pc) =	sbr.rel @p0 .LBB2_1-.Ltmp4, $4  }
0x20c: {  	[hbm4b:s7+s2] =	stream.linear.scatter [tilespmem:s9], [sflag:$0x2], $0x4000, $0x38;
	[tilespmem:$0xC400] =	vst v63  }
0x20d: {  	_ =	swait.ge [sflag:s18], $0x4000  }
0x20e: {  	[sflag:s18] =	ssyncset.done $0x0  }
0x20f: {  	[sflag:s18] =	ssyncadd.s32 $0xFFFFC000  }
0x210: {  	_ =	sfence.sel $0x180000  }
0x211: {  	[bflag:$0x0] =	sbarrier.arrive $0xFFFF  }
0x212: {  	p0 =	sne.s32 s1, $0x0;
	_ =	strace $0x90000047  }
0x213: {  	s0 =	sadd.s32 @!p0 $0x100000, s0;
	[bflag:$0x2] =	sbarrier.arrive $0xFFFF  }
0x214: {  	[sflag:s0] =	ssyncadd.tile.s32 @!p0 $0x1;
	_ =	shalt  }
.Lfunc_end2:
_tile_overlayer_lowered:
.L_overlay_start_2:
0x215: {  	(tag) =	ssettag $0x2  }
0x216: {  	s0 =	rddreg [dreg:$0x0];
	s2 =	stileid.u32  }
0x217: {  	s1 =	rddreg [dreg:$0x1];
	p0 =	sne.s32 s2, $0x0  }
0x218: {  	s3 =	rddreg [dreg:$0x2];
	[bflag:$0x3] =	sbarrier.arrive $0xFFFF;
	s2 =	simm.s32 @!p0 $0x1C02  }
0x219: {  	[timem:s3], [sflag:s2] =	dma.local @!p0 [hbm:s0], s1  }
0x21a: {  	s0 =	simm.s32 @!p0 $0x2  }
0x21b: {  	_ =	swait.ge @!p0 [sflag:s0], s1  }
0x21c: {  	s1 =	ssub.s32 @!p0 $0x0, s1;
	[sflag:s0] =	ssyncset.done @!p0 $0x0  }
0x21d: {  	[sflag:s0] =	ssyncadd.s32 @!p0 s1  }
0x21e: {  	[bflag:$0x3] =	sbarrier.arrive $0xFFFF  }
0x21f: {  	_ =	shalt  }

</sc_bundles>
